<compile_context>
chip_gen: v7x
topology: tpu7x:2x2x1
jax: 0.10.2.dev20260603
libtpu: 0.0.44.dev20260713+nightly
codegen_flags: <defaults>
</compile_context>

<pallas_src>
import functools

import jax
import jax.numpy as jnp
from jax import lax
from jax.experimental import pallas as pl
from jax.experimental.pallas import tpu as pltpu
from jax.experimental.pallas import tpu_sc as plsc

NC = 2
NS = 16
NW = NC * NS


def _make_edge_pass(n, c, nch, k):
    mesh = plsc.VectorSubcoreMesh(
        core_axis_name="c", subcore_axis_name="s",
        num_cores=NC, num_subcores=NS)
    rpt = n // NS

    @functools.partial(
        pl.kernel,
        out_type=jax.ShapeDtypeStruct((NC, n, c), jnp.float32),
        mesh=mesh,
        scratch_types=[
            pltpu.VMEM((nch, k), jnp.int32),
            pltpu.VMEM((nch, k), jnp.int32),
            pltpu.VMEM((k, c), jnp.float32),
            pltpu.VMEM_SHARED((n, c), jnp.float32),
            pltpu.SemaphoreType.DMA,
        ],
        compiler_params=pltpu.CompilerParams(use_tc_tiling_on_sc=False),
    )
    def edge_pass(table_hbm, src_hbm, dst_hbm, zeros_hbm, part_hbm,
                  src_v, dst_v, rows_v, acc_sh, sem):
        cid = lax.axis_index("c")
        sid = lax.axis_index("s")
        wid = sid * NC + cid
        r0 = sid * rpt
        pltpu.sync_copy(zeros_hbm.at[pl.ds(r0, rpt)], acc_sh.at[pl.ds(r0, rpt)])
        pltpu.sync_copy(src_hbm.at[wid], src_v)
        pltpu.sync_copy(dst_hbm.at[wid], dst_v)
        plsc.subcore_barrier()

        def body(j, carry):
            pltpu.async_copy(table_hbm.at[src_v.at[j]], rows_v, sem).wait()
            pltpu.sync_copy(rows_v, acc_sh.at[dst_v.at[j]], add=True)
            return carry

        lax.fori_loop(0, nch, body, 0)
        plsc.subcore_barrier()
        pltpu.sync_copy(acc_sh.at[pl.ds(r0, rpt)],
                        part_hbm.at[cid, pl.ds(r0, rpt)])

    return edge_pass


def _deg_mm_body(dp_ref, x_ref, w_ref, g_ref, dinv_ref):
    deg = dp_ref[0, :, 0:1] + dp_ref[1, :, 0:1] + 1.0
    dinv = lax.rsqrt(deg)
    h = jnp.dot(x_ref[...], w_ref[...], preferred_element_type=jnp.float32)
    g_ref[...] = h * dinv
    dinv_ref[...] = dinv


def _mid_body(p_ref, g_ref, dinv_ref, b_ref, w_ref, out_ref):
    dinv = dinv_ref[...]
    h = jnp.maximum((p_ref[0] + p_ref[1] + g_ref[...]) * dinv + b_ref[...], 0.0)
    out_ref[...] = jnp.dot(
        h, w_ref[...], preferred_element_type=jnp.float32) * dinv


def _fin_mm_body(p_ref, g_ref, dinv_ref, b_ref, wf_ref, g3w_ref):
    dinv = dinv_ref[...]
    h = jnp.maximum((p_ref[0] + p_ref[1] + g_ref[...]) * dinv + b_ref[...], 0.0)
    g3 = jnp.dot(h, wf_ref[...], preferred_element_type=jnp.float32) * dinv
    g3w_ref[...] = jnp.broadcast_to(g3, g3w_ref.shape)


def _out_body(p_ref, g3w_ref, dinv_ref, bf_ref, out_ref):
    agg = p_ref[0, :, 0:1] + p_ref[1, :, 0:1] + g3w_ref[:, 0:1]
    out_ref[...] = agg * dinv_ref[...] + bf_ref[...]


def _tc_call(body, out_shapes):
    return pl.pallas_call(body, out_shape=out_shapes)


def kernel(x, edge_index, batch, W0, b0, W1, b1, Wf, bf):
    n, cin = x.shape
    e = edge_index.shape[1]
    c = W0.shape[1]
    k = 80
    nch = e // (NW * k)
    assert nch * NW * k == e and n % NS == 0

    src = edge_index[0].reshape(NW, nch, k)
    dst = edge_index[1].reshape(NW, nch, k)

    pass_c = _make_edge_pass(n, c, nch, k)
    pass_16 = _make_edge_pass(n, 16, nch, k)

    ones16 = jnp.ones((n, 16), jnp.float32)
    z16 = jnp.zeros((n, 16), jnp.float32)
    zc = jnp.zeros((n, c), jnp.float32)

    dp = pass_16(ones16, src, dst, z16)
    g1, dinv = _tc_call(
        _deg_mm_body,
        (jax.ShapeDtypeStruct((n, c), jnp.float32),
         jax.ShapeDtypeStruct((n, 1), jnp.float32)))(dp, x, W0)

    p1 = pass_c(g1, src, dst, zc)
    g2 = _tc_call(
        _mid_body, jax.ShapeDtypeStruct((n, c), jnp.float32))(
            p1, g1, dinv, b0.reshape(1, c), W1)

    p2 = pass_c(g2, src, dst, zc)
    g3w = _tc_call(
        _fin_mm_body, jax.ShapeDtypeStruct((n, 16), jnp.float32))(
            p2, g2, dinv, b1.reshape(1, c), Wf)

    p3 = pass_16(g3w, src, dst, z16)
    out = _tc_call(
        _out_body, jax.ShapeDtypeStruct((n, 1), jnp.float32))(
            p3, g3w, dinv, bf.reshape(1, 1))
    return out

# --- scband reference (transcript-rebuilt; emitter-appended) ---
"""Pipeline reference for scband-gnn-model-15899968930143 (READ-ONLY COPY).

The authoritative reference and input builder live on the scoring server;
editing this copy changes nothing except your own understanding.
"""

import jax, jax.numpy as jnp
import numpy as np

N = 10000
E = 320000
C_IN = 128
C = 128


def setup_inputs(seed: int = 0) -> dict:
    key = jax.random.key(seed)
    ks = jax.random.split(key, 8)
    x = jax.random.normal(ks[0], (N, C_IN), dtype=jnp.float32)
    edge_index = jax.random.randint(ks[1], (2, E), 0, N, dtype=jnp.int32)
    batch = jnp.zeros((N,), dtype=jnp.int32)
    # GCNConv weights (glorot-ish scaling) for first_convs (2 convs, depth=0 so no down/up) + final_conv
    W0 = jax.random.normal(ks[2], (C_IN, C), dtype=jnp.float32) * (1.0 / np.sqrt(C_IN))
    b0 = jnp.zeros((C,), dtype=jnp.float32)
    W1 = jax.random.normal(ks[3], (C, C), dtype=jnp.float32) * (1.0 / np.sqrt(C))
    b1 = jnp.zeros((C,), dtype=jnp.float32)
    Wf = jax.random.normal(ks[4], (C, 1), dtype=jnp.float32) * (1.0 / np.sqrt(C))
    bf = jnp.zeros((1,), dtype=jnp.float32)
    return {"x": x, "edge_index": edge_index, "batch": batch,
            "W0": W0, "b0": b0, "W1": W1, "b1": b1, "Wf": Wf, "bf": bf}


def gcn_conv(x, src, dst, W, b, n):
    # PyG GCNConv: add self-loops, symmetric normalization D^-1/2 (A+I) D^-1/2 X W + b
    h = x @ W
    loop = jnp.arange(n, dtype=src.dtype)
    s = jnp.concatenate([src, loop])
    d = jnp.concatenate([dst, loop])
    deg = jnp.zeros((n,), dtype=x.dtype).at[d].add(1.0)
    dinv = jnp.where(deg > 0, 1.0 / jnp.sqrt(deg), 0.0)
    norm = dinv[s] * dinv[d]
    msg = h[s] * norm[:, None]
    out = jnp.zeros((n, h.shape[1]), dtype=x.dtype).at[d].add(msg)
    return out + b


def reference(x, edge_index, batch, W0, b0, W1, b1, Wf, bf):
    # depth=0: forward = doGCNBlock(first_convs) with relu activation, then final_conv (no activation).
    # threshold=0 (falsy) -> no thresholding; last_1x1=False -> final conv uses edge_index.
    src = edge_index[0]
    dst = edge_index[1]
    h = jax.nn.relu(gcn_conv(x, src, dst, W0, b0, N))
    h = jax.nn.relu(gcn_conv(h, src, dst, W1, b1, N))
    out = gcn_conv(h, src, dst, Wf, bf, N)
    return out

if __name__ == "__main__":
    import jax
    _d = setup_inputs()
    print(jax.jit(kernel)(*tuple(_d.values())))

</pallas_src>

<mosaic_0001>
#map = affine_map<(d0, d1) -> (0, 0)>
#map1 = affine_map<(d0, d1) -> (0, 0, 0)>
module attributes {stable_mosaic.version = 14 : i64} {
  func.func @edge_pass(%arg0: i32, %arg1: i32, %arg2: memref<10000x16xf32, #tpu.memory_space<hbm>>, %arg3: memref<32x125x80xi32, #tpu.memory_space<hbm>>, %arg4: memref<32x125x80xi32, #tpu.memory_space<hbm>>, %arg5: memref<10000x16xf32, #tpu.memory_space<hbm>>, %arg6: memref<2x10000x16xf32, #tpu.memory_space<hbm>>, %arg7: memref<125x80xi32, #tpu.memory_space<vmem>>, %arg8: memref<125x80xi32, #tpu.memory_space<vmem>>, %arg9: memref<80x16xf32, #tpu.memory_space<vmem>>, %arg10: memref<10000x16xf32, #tpu.memory_space<vmem_shared>>, %arg11: memref<!tpu.dma_semaphore, #tpu.memory_space<semaphore_mem>>) attributes {dimension_semantics = [#tpu.dimension_semantics<core_parallel>, #tpu.dimension_semantics<subcore_parallel>], iteration_bounds = array<i64: 2, 16>, scalar_prefetch = 0 : i64, scratch_operands = 5 : i64, tpu.core_type = #tpu.core_type<sc_vector_subcore>, window_params = [{transform_indices = #map}, {transform_indices = #map1}, {transform_indices = #map1}, {transform_indices = #map}, {transform_indices = #map1}]} {
    %mul3A = arith.constant 2 : i32
    %mul3A_0 = arith.muli %arg1, %mul3A : i32
    %add3A = arith.addi %mul3A_0, %arg0 : i32
    %mul3A_1 = arith.constant 625 : i32
    %mul3A_2 = arith.muli %arg1, %mul3A_1 : i32
    "tpu.region"() ({
      %run_scoped3A = tpu.sem_alloc : memref<!tpu.dma_semaphore, #tpu.memory_space<semaphore_mem>>
      %dma_start3A = arith.constant 0 : i32
      %dma_start3A_9 = tpu.memref_slice %arg10[%mul3A_2, %dma_start3A] : memref<10000x16xf32, #tpu.memory_space<vmem_shared>> -> memref<625x16xf32, #tpu.memory_space<vmem_shared>>
      %dma_start3A_10 = arith.constant 0 : i32
      %dma_start3A_11 = tpu.memref_slice %arg5[%mul3A_2, %dma_start3A_10] : memref<10000x16xf32, #tpu.memory_space<hbm>> -> memref<625x16xf32, #tpu.memory_space<hbm>>
      tpu.enqueue_dma source(%dma_start3A_11 : memref<625x16xf32, #tpu.memory_space<hbm>>) target(%dma_start3A_9 : memref<625x16xf32, #tpu.memory_space<vmem_shared>>) target_semaphore(%run_scoped3A : memref<!tpu.dma_semaphore, #tpu.memory_space<semaphore_mem>>)
      %dma_wait3A = arith.constant 0 : i32
      %dma_wait3A_12 = tpu.memref_slice %arg10[%mul3A_2, %dma_wait3A] : memref<10000x16xf32, #tpu.memory_space<vmem_shared>> -> memref<625x16xf32, #tpu.memory_space<vmem_shared>>
      %dma_wait3A_13 = arith.constant 0 : i32
      %dma_wait3A_14 = tpu.memref_slice %arg5[%mul3A_2, %dma_wait3A_13] : memref<10000x16xf32, #tpu.memory_space<hbm>> -> memref<625x16xf32, #tpu.memory_space<hbm>>
      tpu.wait_dma2 semaphore(%run_scoped3A : memref<!tpu.dma_semaphore, #tpu.memory_space<semaphore_mem>>) src(%dma_wait3A_14 : memref<625x16xf32, #tpu.memory_space<hbm>>) dst(%dma_wait3A_12 : memref<625x16xf32, #tpu.memory_space<vmem_shared>>)
      tpu.yield
    }) : () -> ()
    "tpu.region"() ({
      %run_scoped3A = tpu.sem_alloc : memref<!tpu.dma_semaphore, #tpu.memory_space<semaphore_mem>>
      %dma_start3A = arith.constant 0 : i32
      %dma_start3A_9 = arith.constant 0 : i32
      %dma_start3A_10 = tpu.memref_slice %arg3[%add3A, %dma_start3A, %dma_start3A_9] : memref<32x125x80xi32, #tpu.memory_space<hbm>> -> memref<1x125x80xi32, #tpu.memory_space<hbm>>
      %dma_start3A_11 = tpu.memref_squeeze %dma_start3A_10 : memref<1x125x80xi32, #tpu.memory_space<hbm>> -> memref<125x80xi32, #tpu.memory_space<hbm>>
      %dma_start3A_12 = arith.constant 0 : i32
      %dma_start3A_13 = arith.constant 0 : i32
      %dma_start3A_14 = tpu.memref_slice %arg3[%add3A, %dma_start3A_12, %dma_start3A_13] : memref<32x125x80xi32, #tpu.memory_space<hbm>> -> memref<1x125x80xi32, #tpu.memory_space<hbm>>
      %dma_start3A_15 = tpu.memref_squeeze %dma_start3A_14 : memref<1x125x80xi32, #tpu.memory_space<hbm>> -> memref<125x80xi32, #tpu.memory_space<hbm>>
      tpu.enqueue_dma source(%dma_start3A_15 : memref<125x80xi32, #tpu.memory_space<hbm>>) target(%arg7 : memref<125x80xi32, #tpu.memory_space<vmem>>) target_semaphore(%run_scoped3A : memref<!tpu.dma_semaphore, #tpu.memory_space<semaphore_mem>>)
      %dma_wait3A = arith.constant 0 : i32
      %dma_wait3A_16 = arith.constant 0 : i32
      %dma_wait3A_17 = tpu.memref_slice %arg3[%add3A, %dma_wait3A, %dma_wait3A_16] : memref<32x125x80xi32, #tpu.memory_space<hbm>> -> memref<1x125x80xi32, #tpu.memory_space<hbm>>
      %dma_wait3A_18 = tpu.memref_squeeze %dma_wait3A_17 : memref<1x125x80xi32, #tpu.memory_space<hbm>> -> memref<125x80xi32, #tpu.memory_space<hbm>>
      %dma_wait3A_19 = arith.constant 0 : i32
      %dma_wait3A_20 = arith.constant 0 : i32
      %dma_wait3A_21 = tpu.memref_slice %arg3[%add3A, %dma_wait3A_19, %dma_wait3A_20] : memref<32x125x80xi32, #tpu.memory_space<hbm>> -> memref<1x125x80xi32, #tpu.memory_space<hbm>>
      %dma_wait3A_22 = tpu.memref_squeeze %dma_wait3A_21 : memref<1x125x80xi32, #tpu.memory_space<hbm>> -> memref<125x80xi32, #tpu.memory_space<hbm>>
      tpu.wait_dma2 semaphore(%run_scoped3A : memref<!tpu.dma_semaphore, #tpu.memory_space<semaphore_mem>>) src(%dma_wait3A_22 : memref<125x80xi32, #tpu.memory_space<hbm>>) dst(%arg7 : memref<125x80xi32, #tpu.memory_space<vmem>>)
      tpu.yield
    }) : () -> ()
    "tpu.region"() ({
      %run_scoped3A = tpu.sem_alloc : memref<!tpu.dma_semaphore, #tpu.memory_space<semaphore_mem>>
      %dma_start3A = arith.constant 0 : i32
      %dma_start3A_9 = arith.constant 0 : i32
      %dma_start3A_10 = tpu.memref_slice %arg4[%add3A, %dma_start3A, %dma_start3A_9] : memref<32x125x80xi32, #tpu.memory_space<hbm>> -> memref<1x125x80xi32, #tpu.memory_space<hbm>>
      %dma_start3A_11 = tpu.memref_squeeze %dma_start3A_10 : memref<1x125x80xi32, #tpu.memory_space<hbm>> -> memref<125x80xi32, #tpu.memory_space<hbm>>
      %dma_start3A_12 = arith.constant 0 : i32
      %dma_start3A_13 = arith.constant 0 : i32
      %dma_start3A_14 = tpu.memref_slice %arg4[%add3A, %dma_start3A_12, %dma_start3A_13] : memref<32x125x80xi32, #tpu.memory_space<hbm>> -> memref<1x125x80xi32, #tpu.memory_space<hbm>>
      %dma_start3A_15 = tpu.memref_squeeze %dma_start3A_14 : memref<1x125x80xi32, #tpu.memory_space<hbm>> -> memref<125x80xi32, #tpu.memory_space<hbm>>
      tpu.enqueue_dma source(%dma_start3A_15 : memref<125x80xi32, #tpu.memory_space<hbm>>) target(%arg8 : memref<125x80xi32, #tpu.memory_space<vmem>>) target_semaphore(%run_scoped3A : memref<!tpu.dma_semaphore, #tpu.memory_space<semaphore_mem>>)
      %dma_wait3A = arith.constant 0 : i32
      %dma_wait3A_16 = arith.constant 0 : i32
      %dma_wait3A_17 = tpu.memref_slice %arg4[%add3A, %dma_wait3A, %dma_wait3A_16] : memref<32x125x80xi32, #tpu.memory_space<hbm>> -> memref<1x125x80xi32, #tpu.memory_space<hbm>>
      %dma_wait3A_18 = tpu.memref_squeeze %dma_wait3A_17 : memref<1x125x80xi32, #tpu.memory_space<hbm>> -> memref<125x80xi32, #tpu.memory_space<hbm>>
      %dma_wait3A_19 = arith.constant 0 : i32
      %dma_wait3A_20 = arith.constant 0 : i32
      %dma_wait3A_21 = tpu.memref_slice %arg4[%add3A, %dma_wait3A_19, %dma_wait3A_20] : memref<32x125x80xi32, #tpu.memory_space<hbm>> -> memref<1x125x80xi32, #tpu.memory_space<hbm>>
      %dma_wait3A_22 = tpu.memref_squeeze %dma_wait3A_21 : memref<1x125x80xi32, #tpu.memory_space<hbm>> -> memref<125x80xi32, #tpu.memory_space<hbm>>
      tpu.wait_dma2 semaphore(%run_scoped3A : memref<!tpu.dma_semaphore, #tpu.memory_space<semaphore_mem>>) src(%dma_wait3A_22 : memref<125x80xi32, #tpu.memory_space<hbm>>) dst(%arg8 : memref<125x80xi32, #tpu.memory_space<vmem>>)
      tpu.yield
    }) : () -> ()
    %barrier3A = arith.constant 0 : index
    tpu.barrier barrier_id(%barrier3A)
    %scan3A = arith.constant 0 : i32
    %scan3A_3 = arith.constant 0 : i32
    %scan3A_4 = arith.constant 125 : i32
    %scan3A_5 = arith.addi %scan3A_3, %scan3A_4 : i32
    %scan3A_6 = arith.constant 1 : i32
    scf.for %scan3A_9 = %scan3A_3 to %scan3A_5 step %scan3A_6  : i32 {
      %dma_start3A = arith.constant 0 : i32
      %dma_start3A_10 = tpu.memref_slice %arg7[%scan3A_9, %dma_start3A] : memref<125x80xi32, #tpu.memory_space<vmem>> -> memref<1x80xi32, #tpu.memory_space<vmem>>
      %dma_start3A_11 = tpu.memref_squeeze %dma_start3A_10 : memref<1x80xi32, #tpu.memory_space<vmem>> -> memref<80xi32, #tpu.memory_space<vmem>>
      %dma_start3A_12 = arith.constant 0 : i32
      %dma_start3A_13 = arith.constant 0 : i32
      %dma_start3A_14 = tpu.memref_slice %arg2[%dma_start3A_12, %dma_start3A_13] : memref<10000x16xf32, #tpu.memory_space<hbm>> -> memref<10000x16xf32, #tpu.memory_space<hbm>>
      tpu.enqueue_indirect_dma source(%dma_start3A_14 : memref<10000x16xf32, #tpu.memory_space<hbm>>) target(%arg9 : memref<80x16xf32, #tpu.memory_space<vmem>>) offsets(%dma_start3A_11 : memref<80xi32, #tpu.memory_space<vmem>>) semaphore(%arg11 : memref<!tpu.dma_semaphore, #tpu.memory_space<semaphore_mem>>)
      %dma_wait3A = arith.constant 0 : i32
      %dma_wait3A_15 = tpu.memref_slice %arg7[%scan3A_9, %dma_wait3A] : memref<125x80xi32, #tpu.memory_space<vmem>> -> memref<1x80xi32, #tpu.memory_space<vmem>>
      %dma_wait3A_16 = tpu.memref_squeeze %dma_wait3A_15 : memref<1x80xi32, #tpu.memory_space<vmem>> -> memref<80xi32, #tpu.memory_space<vmem>>
      %dma_wait3A_17 = arith.constant 0 : i32
      %dma_wait3A_18 = arith.constant 0 : i32
      %dma_wait3A_19 = tpu.memref_slice %arg2[%dma_wait3A_17, %dma_wait3A_18] : memref<10000x16xf32, #tpu.memory_space<hbm>> -> memref<10000x16xf32, #tpu.memory_space<hbm>>
      tpu.wait_indirect_dma semaphore(%arg11 : memref<!tpu.dma_semaphore, #tpu.memory_space<semaphore_mem>>) src(%dma_wait3A_19 : memref<10000x16xf32, #tpu.memory_space<hbm>>) dst(%arg9 : memref<80x16xf32, #tpu.memory_space<vmem>>)
      "tpu.region"() ({
        %run_scoped3A = tpu.sem_alloc : memref<!tpu.dma_semaphore, #tpu.memory_space<semaphore_mem>>
        %dma_start3A_20 = arith.constant 0 : i32
        %dma_start3A_21 = tpu.memref_slice %arg8[%scan3A_9, %dma_start3A_20] : memref<125x80xi32, #tpu.memory_space<vmem>> -> memref<1x80xi32, #tpu.memory_space<vmem>>
        %dma_start3A_22 = tpu.memref_squeeze %dma_start3A_21 : memref<1x80xi32, #tpu.memory_space<vmem>> -> memref<80xi32, #tpu.memory_space<vmem>>
        %dma_start3A_23 = arith.constant 0 : i32
        %dma_start3A_24 = arith.constant 0 : i32
        %dma_start3A_25 = tpu.memref_slice %arg10[%dma_start3A_23, %dma_start3A_24] : memref<10000x16xf32, #tpu.memory_space<vmem_shared>> -> memref<10000x16xf32, #tpu.memory_space<vmem_shared>>
        tpu.enqueue_indirect_dma source(%arg9 : memref<80x16xf32, #tpu.memory_space<vmem>>) target(%dma_start3A_25 : memref<10000x16xf32, #tpu.memory_space<vmem_shared>>) offsets(%dma_start3A_22 : memref<80xi32, #tpu.memory_space<vmem>>) semaphore(%run_scoped3A : memref<!tpu.dma_semaphore, #tpu.memory_space<semaphore_mem>>) {add = true}
        %dma_wait3A_26 = arith.constant 0 : i32
        %dma_wait3A_27 = tpu.memref_slice %arg8[%scan3A_9, %dma_wait3A_26] : memref<125x80xi32, #tpu.memory_space<vmem>> -> memref<1x80xi32, #tpu.memory_space<vmem>>
        %dma_wait3A_28 = tpu.memref_squeeze %dma_wait3A_27 : memref<1x80xi32, #tpu.memory_space<vmem>> -> memref<80xi32, #tpu.memory_space<vmem>>
        %dma_wait3A_29 = arith.constant 0 : i32
        %dma_wait3A_30 = arith.constant 0 : i32
        %dma_wait3A_31 = tpu.memref_slice %arg10[%dma_wait3A_29, %dma_wait3A_30] : memref<10000x16xf32, #tpu.memory_space<vmem_shared>> -> memref<10000x16xf32, #tpu.memory_space<vmem_shared>>
        tpu.wait_indirect_dma semaphore(%run_scoped3A : memref<!tpu.dma_semaphore, #tpu.memory_space<semaphore_mem>>) src(%arg9 : memref<80x16xf32, #tpu.memory_space<vmem>>) dst(%dma_wait3A_31 : memref<10000x16xf32, #tpu.memory_space<vmem_shared>>)
        tpu.yield
      }) : () -> ()
    }
    %scan3A_7 = arith.constant 125 : i32
    %barrier3A_8 = arith.constant 0 : index
    tpu.barrier barrier_id(%barrier3A_8)
    "tpu.region"() ({
      %run_scoped3A = tpu.sem_alloc : memref<!tpu.dma_semaphore, #tpu.memory_space<semaphore_mem>>
      %dma_start3A = arith.constant 0 : i32
      %dma_start3A_9 = tpu.memref_slice %arg6[%arg0, %mul3A_2, %dma_start3A] : memref<2x10000x16xf32, #tpu.memory_space<hbm>> -> memref<1x625x16xf32, #tpu.memory_space<hbm>>
      %dma_start3A_10 = tpu.memref_squeeze %dma_start3A_9 : memref<1x625x16xf32, #tpu.memory_space<hbm>> -> memref<625x16xf32, #tpu.memory_space<hbm>>
      %dma_start3A_11 = arith.constant 0 : i32
      %dma_start3A_12 = tpu.memref_slice %arg10[%mul3A_2, %dma_start3A_11] : memref<10000x16xf32, #tpu.memory_space<vmem_shared>> -> memref<625x16xf32, #tpu.memory_space<vmem_shared>>
      tpu.enqueue_dma source(%dma_start3A_12 : memref<625x16xf32, #tpu.memory_space<vmem_shared>>) target(%dma_start3A_10 : memref<625x16xf32, #tpu.memory_space<hbm>>) target_semaphore(%run_scoped3A : memref<!tpu.dma_semaphore, #tpu.memory_space<semaphore_mem>>)
      %dma_wait3A = arith.constant 0 : i32
      %dma_wait3A_13 = tpu.memref_slice %arg6[%arg0, %mul3A_2, %dma_wait3A] : memref<2x10000x16xf32, #tpu.memory_space<hbm>> -> memref<1x625x16xf32, #tpu.memory_space<hbm>>
      %dma_wait3A_14 = tpu.memref_squeeze %dma_wait3A_13 : memref<1x625x16xf32, #tpu.memory_space<hbm>> -> memref<625x16xf32, #tpu.memory_space<hbm>>
      %dma_wait3A_15 = arith.constant 0 : i32
      %dma_wait3A_16 = tpu.memref_slice %arg10[%mul3A_2, %dma_wait3A_15] : memref<10000x16xf32, #tpu.memory_space<vmem_shared>> -> memref<625x16xf32, #tpu.memory_space<vmem_shared>>
      tpu.wait_dma2 semaphore(%run_scoped3A : memref<!tpu.dma_semaphore, #tpu.memory_space<semaphore_mem>>) src(%dma_wait3A_16 : memref<625x16xf32, #tpu.memory_space<vmem_shared>>) dst(%dma_wait3A_14 : memref<625x16xf32, #tpu.memory_space<hbm>>)
      tpu.yield
    }) : () -> ()
    return
  }
}

#map = affine_map<(d0, d1) -> (0, 0)>
#map1 = affine_map<(d0, d1) -> (0, 0, 0)>
module attributes {stable_mosaic.version = 14 : i64} {
  func.func @edge_pass(%arg0: i32, %arg1: i32, %arg2: memref<10000x128xf32, #tpu.memory_space<hbm>>, %arg3: memref<32x125x80xi32, #tpu.memory_space<hbm>>, %arg4: memref<32x125x80xi32, #tpu.memory_space<hbm>>, %arg5: memref<10000x128xf32, #tpu.memory_space<hbm>>, %arg6: memref<2x10000x128xf32, #tpu.memory_space<hbm>>, %arg7: memref<125x80xi32, #tpu.memory_space<vmem>>, %arg8: memref<125x80xi32, #tpu.memory_space<vmem>>, %arg9: memref<80x128xf32, #tpu.memory_space<vmem>>, %arg10: memref<10000x128xf32, #tpu.memory_space<vmem_shared>>, %arg11: memref<!tpu.dma_semaphore, #tpu.memory_space<semaphore_mem>>) attributes {dimension_semantics = [#tpu.dimension_semantics<core_parallel>, #tpu.dimension_semantics<subcore_parallel>], iteration_bounds = array<i64: 2, 16>, scalar_prefetch = 0 : i64, scratch_operands = 5 : i64, tpu.core_type = #tpu.core_type<sc_vector_subcore>, window_params = [{transform_indices = #map}, {transform_indices = #map1}, {transform_indices = #map1}, {transform_indices = #map}, {transform_indices = #map1}]} {
    %mul3A = arith.constant 2 : i32
    %mul3A_0 = arith.muli %arg1, %mul3A : i32
    %add3A = arith.addi %mul3A_0, %arg0 : i32
    %mul3A_1 = arith.constant 625 : i32
    %mul3A_2 = arith.muli %arg1, %mul3A_1 : i32
    "tpu.region"() ({
      %run_scoped3A = tpu.sem_alloc : memref<!tpu.dma_semaphore, #tpu.memory_space<semaphore_mem>>
      %dma_start3A = arith.constant 0 : i32
      %dma_start3A_9 = tpu.memref_slice %arg10[%mul3A_2, %dma_start3A] : memref<10000x128xf32, #tpu.memory_space<vmem_shared>> -> memref<625x128xf32, #tpu.memory_space<vmem_shared>>
      %dma_start3A_10 = arith.constant 0 : i32
      %dma_start3A_11 = tpu.memref_slice %arg5[%mul3A_2, %dma_start3A_10] : memref<10000x128xf32, #tpu.memory_space<hbm>> -> memref<625x128xf32, #tpu.memory_space<hbm>>
      tpu.enqueue_dma source(%dma_start3A_11 : memref<625x128xf32, #tpu.memory_space<hbm>>) target(%dma_start3A_9 : memref<625x128xf32, #tpu.memory_space<vmem_shared>>) target_semaphore(%run_scoped3A : memref<!tpu.dma_semaphore, #tpu.memory_space<semaphore_mem>>)
      %dma_wait3A = arith.constant 0 : i32
      %dma_wait3A_12 = tpu.memref_slice %arg10[%mul3A_2, %dma_wait3A] : memref<10000x128xf32, #tpu.memory_space<vmem_shared>> -> memref<625x128xf32, #tpu.memory_space<vmem_shared>>
      %dma_wait3A_13 = arith.constant 0 : i32
      %dma_wait3A_14 = tpu.memref_slice %arg5[%mul3A_2, %dma_wait3A_13] : memref<10000x128xf32, #tpu.memory_space<hbm>> -> memref<625x128xf32, #tpu.memory_space<hbm>>
      tpu.wait_dma2 semaphore(%run_scoped3A : memref<!tpu.dma_semaphore, #tpu.memory_space<semaphore_mem>>) src(%dma_wait3A_14 : memref<625x128xf32, #tpu.memory_space<hbm>>) dst(%dma_wait3A_12 : memref<625x128xf32, #tpu.memory_space<vmem_shared>>)
      tpu.yield
    }) : () -> ()
    "tpu.region"() ({
      %run_scoped3A = tpu.sem_alloc : memref<!tpu.dma_semaphore, #tpu.memory_space<semaphore_mem>>
      %dma_start3A = arith.constant 0 : i32
      %dma_start3A_9 = arith.constant 0 : i32
      %dma_start3A_10 = tpu.memref_slice %arg3[%add3A, %dma_start3A, %dma_start3A_9] : memref<32x125x80xi32, #tpu.memory_space<hbm>> -> memref<1x125x80xi32, #tpu.memory_space<hbm>>
      %dma_start3A_11 = tpu.memref_squeeze %dma_start3A_10 : memref<1x125x80xi32, #tpu.memory_space<hbm>> -> memref<125x80xi32, #tpu.memory_space<hbm>>
      %dma_start3A_12 = arith.constant 0 : i32
      %dma_start3A_13 = arith.constant 0 : i32
      %dma_start3A_14 = tpu.memref_slice %arg3[%add3A, %dma_start3A_12, %dma_start3A_13] : memref<32x125x80xi32, #tpu.memory_space<hbm>> -> memref<1x125x80xi32, #tpu.memory_space<hbm>>
      %dma_start3A_15 = tpu.memref_squeeze %dma_start3A_14 : memref<1x125x80xi32, #tpu.memory_space<hbm>> -> memref<125x80xi32, #tpu.memory_space<hbm>>
      tpu.enqueue_dma source(%dma_start3A_15 : memref<125x80xi32, #tpu.memory_space<hbm>>) target(%arg7 : memref<125x80xi32, #tpu.memory_space<vmem>>) target_semaphore(%run_scoped3A : memref<!tpu.dma_semaphore, #tpu.memory_space<semaphore_mem>>)
      %dma_wait3A = arith.constant 0 : i32
      %dma_wait3A_16 = arith.constant 0 : i32
      %dma_wait3A_17 = tpu.memref_slice %arg3[%add3A, %dma_wait3A, %dma_wait3A_16] : memref<32x125x80xi32, #tpu.memory_space<hbm>> -> memref<1x125x80xi32, #tpu.memory_space<hbm>>
      %dma_wait3A_18 = tpu.memref_squeeze %dma_wait3A_17 : memref<1x125x80xi32, #tpu.memory_space<hbm>> -> memref<125x80xi32, #tpu.memory_space<hbm>>
      %dma_wait3A_19 = arith.constant 0 : i32
      %dma_wait3A_20 = arith.constant 0 : i32
      %dma_wait3A_21 = tpu.memref_slice %arg3[%add3A, %dma_wait3A_19, %dma_wait3A_20] : memref<32x125x80xi32, #tpu.memory_space<hbm>> -> memref<1x125x80xi32, #tpu.memory_space<hbm>>
      %dma_wait3A_22 = tpu.memref_squeeze %dma_wait3A_21 : memref<1x125x80xi32, #tpu.memory_space<hbm>> -> memref<125x80xi32, #tpu.memory_space<hbm>>
      tpu.wait_dma2 semaphore(%run_scoped3A : memref<!tpu.dma_semaphore, #tpu.memory_space<semaphore_mem>>) src(%dma_wait3A_22 : memref<125x80xi32, #tpu.memory_space<hbm>>) dst(%arg7 : memref<125x80xi32, #tpu.memory_space<vmem>>)
      tpu.yield
    }) : () -> ()
    "tpu.region"() ({
      %run_scoped3A = tpu.sem_alloc : memref<!tpu.dma_semaphore, #tpu.memory_space<semaphore_mem>>
      %dma_start3A = arith.constant 0 : i32
      %dma_start3A_9 = arith.constant 0 : i32
      %dma_start3A_10 = tpu.memref_slice %arg4[%add3A, %dma_start3A, %dma_start3A_9] : memref<32x125x80xi32, #tpu.memory_space<hbm>> -> memref<1x125x80xi32, #tpu.memory_space<hbm>>
      %dma_start3A_11 = tpu.memref_squeeze %dma_start3A_10 : memref<1x125x80xi32, #tpu.memory_space<hbm>> -> memref<125x80xi32, #tpu.memory_space<hbm>>
      %dma_start3A_12 = arith.constant 0 : i32
      %dma_start3A_13 = arith.constant 0 : i32
      %dma_start3A_14 = tpu.memref_slice %arg4[%add3A, %dma_start3A_12, %dma_start3A_13] : memref<32x125x80xi32, #tpu.memory_space<hbm>> -> memref<1x125x80xi32, #tpu.memory_space<hbm>>
      %dma_start3A_15 = tpu.memref_squeeze %dma_start3A_14 : memref<1x125x80xi32, #tpu.memory_space<hbm>> -> memref<125x80xi32, #tpu.memory_space<hbm>>
      tpu.enqueue_dma source(%dma_start3A_15 : memref<125x80xi32, #tpu.memory_space<hbm>>) target(%arg8 : memref<125x80xi32, #tpu.memory_space<vmem>>) target_semaphore(%run_scoped3A : memref<!tpu.dma_semaphore, #tpu.memory_space<semaphore_mem>>)
      %dma_wait3A = arith.constant 0 : i32
      %dma_wait3A_16 = arith.constant 0 : i32
      %dma_wait3A_17 = tpu.memref_slice %arg4[%add3A, %dma_wait3A, %dma_wait3A_16] : memref<32x125x80xi32, #tpu.memory_space<hbm>> -> memref<1x125x80xi32, #tpu.memory_space<hbm>>
      %dma_wait3A_18 = tpu.memref_squeeze %dma_wait3A_17 : memref<1x125x80xi32, #tpu.memory_space<hbm>> -> memref<125x80xi32, #tpu.memory_space<hbm>>
      %dma_wait3A_19 = arith.constant 0 : i32
      %dma_wait3A_20 = arith.constant 0 : i32
      %dma_wait3A_21 = tpu.memref_slice %arg4[%add3A, %dma_wait3A_19, %dma_wait3A_20] : memref<32x125x80xi32, #tpu.memory_space<hbm>> -> memref<1x125x80xi32, #tpu.memory_space<hbm>>
      %dma_wait3A_22 = tpu.memref_squeeze %dma_wait3A_21 : memref<1x125x80xi32, #tpu.memory_space<hbm>> -> memref<125x80xi32, #tpu.memory_space<hbm>>
      tpu.wait_dma2 semaphore(%run_scoped3A : memref<!tpu.dma_semaphore, #tpu.memory_space<semaphore_mem>>) src(%dma_wait3A_22 : memref<125x80xi32, #tpu.memory_space<hbm>>) dst(%arg8 : memref<125x80xi32, #tpu.memory_space<vmem>>)
      tpu.yield
    }) : () -> ()
    %barrier3A = arith.constant 0 : index
    tpu.barrier barrier_id(%barrier3A)
    %scan3A = arith.constant 0 : i32
    %scan3A_3 = arith.constant 0 : i32
    %scan3A_4 = arith.constant 125 : i32
    %scan3A_5 = arith.addi %scan3A_3, %scan3A_4 : i32
    %scan3A_6 = arith.constant 1 : i32
    scf.for %scan3A_9 = %scan3A_3 to %scan3A_5 step %scan3A_6  : i32 {
      %dma_start3A = arith.constant 0 : i32
      %dma_start3A_10 = tpu.memref_slice %arg7[%scan3A_9, %dma_start3A] : memref<125x80xi32, #tpu.memory_space<vmem>> -> memref<1x80xi32, #tpu.memory_space<vmem>>
      %dma_start3A_11 = tpu.memref_squeeze %dma_start3A_10 : memref<1x80xi32, #tpu.memory_space<vmem>> -> memref<80xi32, #tpu.memory_space<vmem>>
      %dma_start3A_12 = arith.constant 0 : i32
      %dma_start3A_13 = arith.constant 0 : i32
      %dma_start3A_14 = tpu.memref_slice %arg2[%dma_start3A_12, %dma_start3A_13] : memref<10000x128xf32, #tpu.memory_space<hbm>> -> memref<10000x128xf32, #tpu.memory_space<hbm>>
      tpu.enqueue_indirect_dma source(%dma_start3A_14 : memref<10000x128xf32, #tpu.memory_space<hbm>>) target(%arg9 : memref<80x128xf32, #tpu.memory_space<vmem>>) offsets(%dma_start3A_11 : memref<80xi32, #tpu.memory_space<vmem>>) semaphore(%arg11 : memref<!tpu.dma_semaphore, #tpu.memory_space<semaphore_mem>>)
      %dma_wait3A = arith.constant 0 : i32
      %dma_wait3A_15 = tpu.memref_slice %arg7[%scan3A_9, %dma_wait3A] : memref<125x80xi32, #tpu.memory_space<vmem>> -> memref<1x80xi32, #tpu.memory_space<vmem>>
      %dma_wait3A_16 = tpu.memref_squeeze %dma_wait3A_15 : memref<1x80xi32, #tpu.memory_space<vmem>> -> memref<80xi32, #tpu.memory_space<vmem>>
      %dma_wait3A_17 = arith.constant 0 : i32
      %dma_wait3A_18 = arith.constant 0 : i32
      %dma_wait3A_19 = tpu.memref_slice %arg2[%dma_wait3A_17, %dma_wait3A_18] : memref<10000x128xf32, #tpu.memory_space<hbm>> -> memref<10000x128xf32, #tpu.memory_space<hbm>>
      tpu.wait_indirect_dma semaphore(%arg11 : memref<!tpu.dma_semaphore, #tpu.memory_space<semaphore_mem>>) src(%dma_wait3A_19 : memref<10000x128xf32, #tpu.memory_space<hbm>>) dst(%arg9 : memref<80x128xf32, #tpu.memory_space<vmem>>)
      "tpu.region"() ({
        %run_scoped3A = tpu.sem_alloc : memref<!tpu.dma_semaphore, #tpu.memory_space<semaphore_mem>>
        %dma_start3A_20 = arith.constant 0 : i32
        %dma_start3A_21 = tpu.memref_slice %arg8[%scan3A_9, %dma_start3A_20] : memref<125x80xi32, #tpu.memory_space<vmem>> -> memref<1x80xi32, #tpu.memory_space<vmem>>
        %dma_start3A_22 = tpu.memref_squeeze %dma_start3A_21 : memref<1x80xi32, #tpu.memory_space<vmem>> -> memref<80xi32, #tpu.memory_space<vmem>>
        %dma_start3A_23 = arith.constant 0 : i32
        %dma_start3A_24 = arith.constant 0 : i32
        %dma_start3A_25 = tpu.memref_slice %arg10[%dma_start3A_23, %dma_start3A_24] : memref<10000x128xf32, #tpu.memory_space<vmem_shared>> -> memref<10000x128xf32, #tpu.memory_space<vmem_shared>>
        tpu.enqueue_indirect_dma source(%arg9 : memref<80x128xf32, #tpu.memory_space<vmem>>) target(%dma_start3A_25 : memref<10000x128xf32, #tpu.memory_space<vmem_shared>>) offsets(%dma_start3A_22 : memref<80xi32, #tpu.memory_space<vmem>>) semaphore(%run_scoped3A : memref<!tpu.dma_semaphore, #tpu.memory_space<semaphore_mem>>) {add = true}
        %dma_wait3A_26 = arith.constant 0 : i32
        %dma_wait3A_27 = tpu.memref_slice %arg8[%scan3A_9, %dma_wait3A_26] : memref<125x80xi32, #tpu.memory_space<vmem>> -> memref<1x80xi32, #tpu.memory_space<vmem>>
        %dma_wait3A_28 = tpu.memref_squeeze %dma_wait3A_27 : memref<1x80xi32, #tpu.memory_space<vmem>> -> memref<80xi32, #tpu.memory_space<vmem>>
        %dma_wait3A_29 = arith.constant 0 : i32
        %dma_wait3A_30 = arith.constant 0 : i32
        %dma_wait3A_31 = tpu.memref_slice %arg10[%dma_wait3A_29, %dma_wait3A_30] : memref<10000x128xf32, #tpu.memory_space<vmem_shared>> -> memref<10000x128xf32, #tpu.memory_space<vmem_shared>>
        tpu.wait_indirect_dma semaphore(%run_scoped3A : memref<!tpu.dma_semaphore, #tpu.memory_space<semaphore_mem>>) src(%arg9 : memref<80x128xf32, #tpu.memory_space<vmem>>) dst(%dma_wait3A_31 : memref<10000x128xf32, #tpu.memory_space<vmem_shared>>)
        tpu.yield
      }) : () -> ()
    }
    %scan3A_7 = arith.constant 125 : i32
    %barrier3A_8 = arith.constant 0 : index
    tpu.barrier barrier_id(%barrier3A_8)
    "tpu.region"() ({
      %run_scoped3A = tpu.sem_alloc : memref<!tpu.dma_semaphore, #tpu.memory_space<semaphore_mem>>
      %dma_start3A = arith.constant 0 : i32
      %dma_start3A_9 = tpu.memref_slice %arg6[%arg0, %mul3A_2, %dma_start3A] : memref<2x10000x128xf32, #tpu.memory_space<hbm>> -> memref<1x625x128xf32, #tpu.memory_space<hbm>>
      %dma_start3A_10 = tpu.memref_squeeze %dma_start3A_9 : memref<1x625x128xf32, #tpu.memory_space<hbm>> -> memref<625x128xf32, #tpu.memory_space<hbm>>
      %dma_start3A_11 = arith.constant 0 : i32
      %dma_start3A_12 = tpu.memref_slice %arg10[%mul3A_2, %dma_start3A_11] : memref<10000x128xf32, #tpu.memory_space<vmem_shared>> -> memref<625x128xf32, #tpu.memory_space<vmem_shared>>
      tpu.enqueue_dma source(%dma_start3A_12 : memref<625x128xf32, #tpu.memory_space<vmem_shared>>) target(%dma_start3A_10 : memref<625x128xf32, #tpu.memory_space<hbm>>) target_semaphore(%run_scoped3A : memref<!tpu.dma_semaphore, #tpu.memory_space<semaphore_mem>>)
      %dma_wait3A = arith.constant 0 : i32
      %dma_wait3A_13 = tpu.memref_slice %arg6[%arg0, %mul3A_2, %dma_wait3A] : memref<2x10000x128xf32, #tpu.memory_space<hbm>> -> memref<1x625x128xf32, #tpu.memory_space<hbm>>
      %dma_wait3A_14 = tpu.memref_squeeze %dma_wait3A_13 : memref<1x625x128xf32, #tpu.memory_space<hbm>> -> memref<625x128xf32, #tpu.memory_space<hbm>>
      %dma_wait3A_15 = arith.constant 0 : i32
      %dma_wait3A_16 = tpu.memref_slice %arg10[%mul3A_2, %dma_wait3A_15] : memref<10000x128xf32, #tpu.memory_space<vmem_shared>> -> memref<625x128xf32, #tpu.memory_space<vmem_shared>>
      tpu.wait_dma2 semaphore(%run_scoped3A : memref<!tpu.dma_semaphore, #tpu.memory_space<semaphore_mem>>) src(%dma_wait3A_16 : memref<625x128xf32, #tpu.memory_space<vmem_shared>>) dst(%dma_wait3A_14 : memref<625x128xf32, #tpu.memory_space<hbm>>)
      tpu.yield
    }) : () -> ()
    return
  }
}

#map = affine_map<(d0, d1) -> (0, 0)>
#map1 = affine_map<(d0, d1) -> (0, 0, 0)>
module attributes {stable_mosaic.version = 14 : i64} {
  func.func @edge_pass(%arg0: i32, %arg1: i32, %arg2: memref<10000x16xf32, #tpu.memory_space<hbm>>, %arg3: memref<32x125x80xi32, #tpu.memory_space<hbm>>, %arg4: memref<32x125x80xi32, #tpu.memory_space<hbm>>, %arg5: memref<10000x16xf32, #tpu.memory_space<hbm>>, %arg6: memref<2x10000x16xf32, #tpu.memory_space<hbm>>, %arg7: memref<125x80xi32, #tpu.memory_space<vmem>>, %arg8: memref<125x80xi32, #tpu.memory_space<vmem>>, %arg9: memref<80x16xf32, #tpu.memory_space<vmem>>, %arg10: memref<10000x16xf32, #tpu.memory_space<vmem_shared>>, %arg11: memref<!tpu.dma_semaphore, #tpu.memory_space<semaphore_mem>>) attributes {dimension_semantics = [#tpu.dimension_semantics<core_parallel>, #tpu.dimension_semantics<subcore_parallel>], iteration_bounds = array<i64: 2, 16>, scalar_prefetch = 0 : i64, scratch_operands = 5 : i64, tpu.core_type = #tpu.core_type<sc_vector_subcore>, window_params = [{transform_indices = #map}, {transform_indices = #map1}, {transform_indices = #map1}, {transform_indices = #map}, {transform_indices = #map1}]} {
    %mul3A = arith.constant 2 : i32
    %mul3A_0 = arith.muli %arg1, %mul3A : i32
    %add3A = arith.addi %mul3A_0, %arg0 : i32
    %mul3A_1 = arith.constant 625 : i32
    %mul3A_2 = arith.muli %arg1, %mul3A_1 : i32
    "tpu.region"() ({
      %run_scoped3A = tpu.sem_alloc : memref<!tpu.dma_semaphore, #tpu.memory_space<semaphore_mem>>
      %dma_start3A = arith.constant 0 : i32
      %dma_start3A_9 = tpu.memref_slice %arg10[%mul3A_2, %dma_start3A] : memref<10000x16xf32, #tpu.memory_space<vmem_shared>> -> memref<625x16xf32, #tpu.memory_space<vmem_shared>>
      %dma_start3A_10 = arith.constant 0 : i32
      %dma_start3A_11 = tpu.memref_slice %arg5[%mul3A_2, %dma_start3A_10] : memref<10000x16xf32, #tpu.memory_space<hbm>> -> memref<625x16xf32, #tpu.memory_space<hbm>>
      tpu.enqueue_dma source(%dma_start3A_11 : memref<625x16xf32, #tpu.memory_space<hbm>>) target(%dma_start3A_9 : memref<625x16xf32, #tpu.memory_space<vmem_shared>>) target_semaphore(%run_scoped3A : memref<!tpu.dma_semaphore, #tpu.memory_space<semaphore_mem>>)
      %dma_wait3A = arith.constant 0 : i32
      %dma_wait3A_12 = tpu.memref_slice %arg10[%mul3A_2, %dma_wait3A] : memref<10000x16xf32, #tpu.memory_space<vmem_shared>> -> memref<625x16xf32, #tpu.memory_space<vmem_shared>>
      %dma_wait3A_13 = arith.constant 0 : i32
      %dma_wait3A_14 = tpu.memref_slice %arg5[%mul3A_2, %dma_wait3A_13] : memref<10000x16xf32, #tpu.memory_space<hbm>> -> memref<625x16xf32, #tpu.memory_space<hbm>>
      tpu.wait_dma2 semaphore(%run_scoped3A : memref<!tpu.dma_semaphore, #tpu.memory_space<semaphore_mem>>) src(%dma_wait3A_14 : memref<625x16xf32, #tpu.memory_space<hbm>>) dst(%dma_wait3A_12 : memref<625x16xf32, #tpu.memory_space<vmem_shared>>)
      tpu.yield
    }) : () -> ()
    "tpu.region"() ({
      %run_scoped3A = tpu.sem_alloc : memref<!tpu.dma_semaphore, #tpu.memory_space<semaphore_mem>>
      %dma_start3A = arith.constant 0 : i32
      %dma_start3A_9 = arith.constant 0 : i32
      %dma_start3A_10 = tpu.memref_slice %arg3[%add3A, %dma_start3A, %dma_start3A_9] : memref<32x125x80xi32, #tpu.memory_space<hbm>> -> memref<1x125x80xi32, #tpu.memory_space<hbm>>
      %dma_start3A_11 = tpu.memref_squeeze %dma_start3A_10 : memref<1x125x80xi32, #tpu.memory_space<hbm>> -> memref<125x80xi32, #tpu.memory_space<hbm>>
      %dma_start3A_12 = arith.constant 0 : i32
      %dma_start3A_13 = arith.constant 0 : i32
      %dma_start3A_14 = tpu.memref_slice %arg3[%add3A, %dma_start3A_12, %dma_start3A_13] : memref<32x125x80xi32, #tpu.memory_space<hbm>> -> memref<1x125x80xi32, #tpu.memory_space<hbm>>
      %dma_start3A_15 = tpu.memref_squeeze %dma_start3A_14 : memref<1x125x80xi32, #tpu.memory_space<hbm>> -> memref<125x80xi32, #tpu.memory_space<hbm>>
      tpu.enqueue_dma source(%dma_start3A_15 : memref<125x80xi32, #tpu.memory_space<hbm>>) target(%arg7 : memref<125x80xi32, #tpu.memory_space<vmem>>) target_semaphore(%run_scoped3A : memref<!tpu.dma_semaphore, #tpu.memory_space<semaphore_mem>>)
      %dma_wait3A = arith.constant 0 : i32
      %dma_wait3A_16 = arith.constant 0 : i32
      %dma_wait3A_17 = tpu.memref_slice %arg3[%add3A, %dma_wait3A, %dma_wait3A_16] : memref<32x125x80xi32, #tpu.memory_space<hbm>> -> memref<1x125x80xi32, #tpu.memory_space<hbm>>
      %dma_wait3A_18 = tpu.memref_squeeze %dma_wait3A_17 : memref<1x125x80xi32, #tpu.memory_space<hbm>> -> memref<125x80xi32, #tpu.memory_space<hbm>>
      %dma_wait3A_19 = arith.constant 0 : i32
      %dma_wait3A_20 = arith.constant 0 : i32
      %dma_wait3A_21 = tpu.memref_slice %arg3[%add3A, %dma_wait3A_19, %dma_wait3A_20] : memref<32x125x80xi32, #tpu.memory_space<hbm>> -> memref<1x125x80xi32, #tpu.memory_space<hbm>>
      %dma_wait3A_22 = tpu.memref_squeeze %dma_wait3A_21 : memref<1x125x80xi32, #tpu.memory_space<hbm>> -> memref<125x80xi32, #tpu.memory_space<hbm>>
      tpu.wait_dma2 semaphore(%run_scoped3A : memref<!tpu.dma_semaphore, #tpu.memory_space<semaphore_mem>>) src(%dma_wait3A_22 : memref<125x80xi32, #tpu.memory_space<hbm>>) dst(%arg7 : memref<125x80xi32, #tpu.memory_space<vmem>>)
      tpu.yield
    }) : () -> ()
    "tpu.region"() ({
      %run_scoped3A = tpu.sem_alloc : memref<!tpu.dma_semaphore, #tpu.memory_space<semaphore_mem>>
      %dma_start3A = arith.constant 0 : i32
      %dma_start3A_9 = arith.constant 0 : i32
      %dma_start3A_10 = tpu.memref_slice %arg4[%add3A, %dma_start3A, %dma_start3A_9] : memref<32x125x80xi32, #tpu.memory_space<hbm>> -> memref<1x125x80xi32, #tpu.memory_space<hbm>>
      %dma_start3A_11 = tpu.memref_squeeze %dma_start3A_10 : memref<1x125x80xi32, #tpu.memory_space<hbm>> -> memref<125x80xi32, #tpu.memory_space<hbm>>
      %dma_start3A_12 = arith.constant 0 : i32
      %dma_start3A_13 = arith.constant 0 : i32
      %dma_start3A_14 = tpu.memref_slice %arg4[%add3A, %dma_start3A_12, %dma_start3A_13] : memref<32x125x80xi32, #tpu.memory_space<hbm>> -> memref<1x125x80xi32, #tpu.memory_space<hbm>>
      %dma_start3A_15 = tpu.memref_squeeze %dma_start3A_14 : memref<1x125x80xi32, #tpu.memory_space<hbm>> -> memref<125x80xi32, #tpu.memory_space<hbm>>
      tpu.enqueue_dma source(%dma_start3A_15 : memref<125x80xi32, #tpu.memory_space<hbm>>) target(%arg8 : memref<125x80xi32, #tpu.memory_space<vmem>>) target_semaphore(%run_scoped3A : memref<!tpu.dma_semaphore, #tpu.memory_space<semaphore_mem>>)
      %dma_wait3A = arith.constant 0 : i32
      %dma_wait3A_16 = arith.constant 0 : i32
      %dma_wait3A_17 = tpu.memref_slice %arg4[%add3A, %dma_wait3A, %dma_wait3A_16] : memref<32x125x80xi32, #tpu.memory_space<hbm>> -> memref<1x125x80xi32, #tpu.memory_space<hbm>>
      %dma_wait3A_18 = tpu.memref_squeeze %dma_wait3A_17 : memref<1x125x80xi32, #tpu.memory_space<hbm>> -> memref<125x80xi32, #tpu.memory_space<hbm>>
      %dma_wait3A_19 = arith.constant 0 : i32
      %dma_wait3A_20 = arith.constant 0 : i32
      %dma_wait3A_21 = tpu.memref_slice %arg4[%add3A, %dma_wait3A_19, %dma_wait3A_20] : memref<32x125x80xi32, #tpu.memory_space<hbm>> -> memref<1x125x80xi32, #tpu.memory_space<hbm>>
      %dma_wait3A_22 = tpu.memref_squeeze %dma_wait3A_21 : memref<1x125x80xi32, #tpu.memory_space<hbm>> -> memref<125x80xi32, #tpu.memory_space<hbm>>
      tpu.wait_dma2 semaphore(%run_scoped3A : memref<!tpu.dma_semaphore, #tpu.memory_space<semaphore_mem>>) src(%dma_wait3A_22 : memref<125x80xi32, #tpu.memory_space<hbm>>) dst(%arg8 : memref<125x80xi32, #tpu.memory_space<vmem>>)
      tpu.yield
    }) : () -> ()
    %barrier3A = arith.constant 0 : index
    tpu.barrier barrier_id(%barrier3A)
    %scan3A = arith.constant 0 : i32
    %scan3A_3 = arith.constant 0 : i32
    %scan3A_4 = arith.constant 125 : i32
    %scan3A_5 = arith.addi %scan3A_3, %scan3A_4 : i32
    %scan3A_6 = arith.constant 1 : i32
    scf.for %scan3A_9 = %scan3A_3 to %scan3A_5 step %scan3A_6  : i32 {
      %dma_start3A = arith.constant 0 : i32
      %dma_start3A_10 = tpu.memref_slice %arg7[%scan3A_9, %dma_start3A] : memref<125x80xi32, #tpu.memory_space<vmem>> -> memref<1x80xi32, #tpu.memory_space<vmem>>
      %dma_start3A_11 = tpu.memref_squeeze %dma_start3A_10 : memref<1x80xi32, #tpu.memory_space<vmem>> -> memref<80xi32, #tpu.memory_space<vmem>>
      %dma_start3A_12 = arith.constant 0 : i32
      %dma_start3A_13 = arith.constant 0 : i32
      %dma_start3A_14 = tpu.memref_slice %arg2[%dma_start3A_12, %dma_start3A_13] : memref<10000x16xf32, #tpu.memory_space<hbm>> -> memref<10000x16xf32, #tpu.memory_space<hbm>>
      tpu.enqueue_indirect_dma source(%dma_start3A_14 : memref<10000x16xf32, #tpu.memory_space<hbm>>) target(%arg9 : memref<80x16xf32, #tpu.memory_space<vmem>>) offsets(%dma_start3A_11 : memref<80xi32, #tpu.memory_space<vmem>>) semaphore(%arg11 : memref<!tpu.dma_semaphore, #tpu.memory_space<semaphore_mem>>)
      %dma_wait3A = arith.constant 0 : i32
      %dma_wait3A_15 = tpu.memref_slice %arg7[%scan3A_9, %dma_wait3A] : memref<125x80xi32, #tpu.memory_space<vmem>> -> memref<1x80xi32, #tpu.memory_space<vmem>>
      %dma_wait3A_16 = tpu.memref_squeeze %dma_wait3A_15 : memref<1x80xi32, #tpu.memory_space<vmem>> -> memref<80xi32, #tpu.memory_space<vmem>>
      %dma_wait3A_17 = arith.constant 0 : i32
      %dma_wait3A_18 = arith.constant 0 : i32
      %dma_wait3A_19 = tpu.memref_slice %arg2[%dma_wait3A_17, %dma_wait3A_18] : memref<10000x16xf32, #tpu.memory_space<hbm>> -> memref<10000x16xf32, #tpu.memory_space<hbm>>
      tpu.wait_indirect_dma semaphore(%arg11 : memref<!tpu.dma_semaphore, #tpu.memory_space<semaphore_mem>>) src(%dma_wait3A_19 : memref<10000x16xf32, #tpu.memory_space<hbm>>) dst(%arg9 : memref<80x16xf32, #tpu.memory_space<vmem>>)
      "tpu.region"() ({
        %run_scoped3A = tpu.sem_alloc : memref<!tpu.dma_semaphore, #tpu.memory_space<semaphore_mem>>
        %dma_start3A_20 = arith.constant 0 : i32
        %dma_start3A_21 = tpu.memref_slice %arg8[%scan3A_9, %dma_start3A_20] : memref<125x80xi32, #tpu.memory_space<vmem>> -> memref<1x80xi32, #tpu.memory_space<vmem>>
        %dma_start3A_22 = tpu.memref_squeeze %dma_start3A_21 : memref<1x80xi32, #tpu.memory_space<vmem>> -> memref<80xi32, #tpu.memory_space<vmem>>
        %dma_start3A_23 = arith.constant 0 : i32
        %dma_start3A_24 = arith.constant 0 : i32
        %dma_start3A_25 = tpu.memref_slice %arg10[%dma_start3A_23, %dma_start3A_24] : memref<10000x16xf32, #tpu.memory_space<vmem_shared>> -> memref<10000x16xf32, #tpu.memory_space<vmem_shared>>
        tpu.enqueue_indirect_dma source(%arg9 : memref<80x16xf32, #tpu.memory_space<vmem>>) target(%dma_start3A_25 : memref<10000x16xf32, #tpu.memory_space<vmem_shared>>) offsets(%dma_start3A_22 : memref<80xi32, #tpu.memory_space<vmem>>) semaphore(%run_scoped3A : memref<!tpu.dma_semaphore, #tpu.memory_space<semaphore_mem>>) {add = true}
        %dma_wait3A_26 = arith.constant 0 : i32
        %dma_wait3A_27 = tpu.memref_slice %arg8[%scan3A_9, %dma_wait3A_26] : memref<125x80xi32, #tpu.memory_space<vmem>> -> memref<1x80xi32, #tpu.memory_space<vmem>>
        %dma_wait3A_28 = tpu.memref_squeeze %dma_wait3A_27 : memref<1x80xi32, #tpu.memory_space<vmem>> -> memref<80xi32, #tpu.memory_space<vmem>>
        %dma_wait3A_29 = arith.constant 0 : i32
        %dma_wait3A_30 = arith.constant 0 : i32
        %dma_wait3A_31 = tpu.memref_slice %arg10[%dma_wait3A_29, %dma_wait3A_30] : memref<10000x16xf32, #tpu.memory_space<vmem_shared>> -> memref<10000x16xf32, #tpu.memory_space<vmem_shared>>
        tpu.wait_indirect_dma semaphore(%run_scoped3A : memref<!tpu.dma_semaphore, #tpu.memory_space<semaphore_mem>>) src(%arg9 : memref<80x16xf32, #tpu.memory_space<vmem>>) dst(%dma_wait3A_31 : memref<10000x16xf32, #tpu.memory_space<vmem_shared>>)
        tpu.yield
      }) : () -> ()
    }
    %scan3A_7 = arith.constant 125 : i32
    %barrier3A_8 = arith.constant 0 : index
    tpu.barrier barrier_id(%barrier3A_8)
    "tpu.region"() ({
      %run_scoped3A = tpu.sem_alloc : memref<!tpu.dma_semaphore, #tpu.memory_space<semaphore_mem>>
      %dma_start3A = arith.constant 0 : i32
      %dma_start3A_9 = tpu.memref_slice %arg6[%arg0, %mul3A_2, %dma_start3A] : memref<2x10000x16xf32, #tpu.memory_space<hbm>> -> memref<1x625x16xf32, #tpu.memory_space<hbm>>
      %dma_start3A_10 = tpu.memref_squeeze %dma_start3A_9 : memref<1x625x16xf32, #tpu.memory_space<hbm>> -> memref<625x16xf32, #tpu.memory_space<hbm>>
      %dma_start3A_11 = arith.constant 0 : i32
      %dma_start3A_12 = tpu.memref_slice %arg10[%mul3A_2, %dma_start3A_11] : memref<10000x16xf32, #tpu.memory_space<vmem_shared>> -> memref<625x16xf32, #tpu.memory_space<vmem_shared>>
      tpu.enqueue_dma source(%dma_start3A_12 : memref<625x16xf32, #tpu.memory_space<vmem_shared>>) target(%dma_start3A_10 : memref<625x16xf32, #tpu.memory_space<hbm>>) target_semaphore(%run_scoped3A : memref<!tpu.dma_semaphore, #tpu.memory_space<semaphore_mem>>)
      %dma_wait3A = arith.constant 0 : i32
      %dma_wait3A_13 = tpu.memref_slice %arg6[%arg0, %mul3A_2, %dma_wait3A] : memref<2x10000x16xf32, #tpu.memory_space<hbm>> -> memref<1x625x16xf32, #tpu.memory_space<hbm>>
      %dma_wait3A_14 = tpu.memref_squeeze %dma_wait3A_13 : memref<1x625x16xf32, #tpu.memory_space<hbm>> -> memref<625x16xf32, #tpu.memory_space<hbm>>
      %dma_wait3A_15 = arith.constant 0 : i32
      %dma_wait3A_16 = tpu.memref_slice %arg10[%mul3A_2, %dma_wait3A_15] : memref<10000x16xf32, #tpu.memory_space<vmem_shared>> -> memref<625x16xf32, #tpu.memory_space<vmem_shared>>
      tpu.wait_dma2 semaphore(%run_scoped3A : memref<!tpu.dma_semaphore, #tpu.memory_space<semaphore_mem>>) src(%dma_wait3A_16 : memref<625x16xf32, #tpu.memory_space<vmem_shared>>) dst(%dma_wait3A_14 : memref<625x16xf32, #tpu.memory_space<hbm>>)
      tpu.yield
    }) : () -> ()
    return
  }
}

#map = affine_map<(d0, d1) -> (0, 0)>
#map1 = affine_map<(d0, d1) -> (0, 0, 0)>
module attributes {stable_mosaic.version = 14 : i64} {
  func.func @edge_pass(%arg0: i32, %arg1: i32, %arg2: memref<10000x128xf32, #tpu.memory_space<hbm>>, %arg3: memref<32x125x80xi32, #tpu.memory_space<hbm>>, %arg4: memref<32x125x80xi32, #tpu.memory_space<hbm>>, %arg5: memref<10000x128xf32, #tpu.memory_space<hbm>>, %arg6: memref<2x10000x128xf32, #tpu.memory_space<hbm>>, %arg7: memref<125x80xi32, #tpu.memory_space<vmem>>, %arg8: memref<125x80xi32, #tpu.memory_space<vmem>>, %arg9: memref<80x128xf32, #tpu.memory_space<vmem>>, %arg10: memref<10000x128xf32, #tpu.memory_space<vmem_shared>>, %arg11: memref<!tpu.dma_semaphore, #tpu.memory_space<semaphore_mem>>) attributes {dimension_semantics = [#tpu.dimension_semantics<core_parallel>, #tpu.dimension_semantics<subcore_parallel>], iteration_bounds = array<i64: 2, 16>, scalar_prefetch = 0 : i64, scratch_operands = 5 : i64, tpu.core_type = #tpu.core_type<sc_vector_subcore>, window_params = [{transform_indices = #map}, {transform_indices = #map1}, {transform_indices = #map1}, {transform_indices = #map}, {transform_indices = #map1}]} {
    %mul3A = arith.constant 2 : i32
    %mul3A_0 = arith.muli %arg1, %mul3A : i32
    %add3A = arith.addi %mul3A_0, %arg0 : i32
    %mul3A_1 = arith.constant 625 : i32
    %mul3A_2 = arith.muli %arg1, %mul3A_1 : i32
    "tpu.region"() ({
      %run_scoped3A = tpu.sem_alloc : memref<!tpu.dma_semaphore, #tpu.memory_space<semaphore_mem>>
      %dma_start3A = arith.constant 0 : i32
      %dma_start3A_9 = tpu.memref_slice %arg10[%mul3A_2, %dma_start3A] : memref<10000x128xf32, #tpu.memory_space<vmem_shared>> -> memref<625x128xf32, #tpu.memory_space<vmem_shared>>
      %dma_start3A_10 = arith.constant 0 : i32
      %dma_start3A_11 = tpu.memref_slice %arg5[%mul3A_2, %dma_start3A_10] : memref<10000x128xf32, #tpu.memory_space<hbm>> -> memref<625x128xf32, #tpu.memory_space<hbm>>
      tpu.enqueue_dma source(%dma_start3A_11 : memref<625x128xf32, #tpu.memory_space<hbm>>) target(%dma_start3A_9 : memref<625x128xf32, #tpu.memory_space<vmem_shared>>) target_semaphore(%run_scoped3A : memref<!tpu.dma_semaphore, #tpu.memory_space<semaphore_mem>>)
      %dma_wait3A = arith.constant 0 : i32
      %dma_wait3A_12 = tpu.memref_slice %arg10[%mul3A_2, %dma_wait3A] : memref<10000x128xf32, #tpu.memory_space<vmem_shared>> -> memref<625x128xf32, #tpu.memory_space<vmem_shared>>
      %dma_wait3A_13 = arith.constant 0 : i32
      %dma_wait3A_14 = tpu.memref_slice %arg5[%mul3A_2, %dma_wait3A_13] : memref<10000x128xf32, #tpu.memory_space<hbm>> -> memref<625x128xf32, #tpu.memory_space<hbm>>
      tpu.wait_dma2 semaphore(%run_scoped3A : memref<!tpu.dma_semaphore, #tpu.memory_space<semaphore_mem>>) src(%dma_wait3A_14 : memref<625x128xf32, #tpu.memory_space<hbm>>) dst(%dma_wait3A_12 : memref<625x128xf32, #tpu.memory_space<vmem_shared>>)
      tpu.yield
    }) : () -> ()
    "tpu.region"() ({
      %run_scoped3A = tpu.sem_alloc : memref<!tpu.dma_semaphore, #tpu.memory_space<semaphore_mem>>
      %dma_start3A = arith.constant 0 : i32
      %dma_start3A_9 = arith.constant 0 : i32
      %dma_start3A_10 = tpu.memref_slice %arg3[%add3A, %dma_start3A, %dma_start3A_9] : memref<32x125x80xi32, #tpu.memory_space<hbm>> -> memref<1x125x80xi32, #tpu.memory_space<hbm>>
      %dma_start3A_11 = tpu.memref_squeeze %dma_start3A_10 : memref<1x125x80xi32, #tpu.memory_space<hbm>> -> memref<125x80xi32, #tpu.memory_space<hbm>>
      %dma_start3A_12 = arith.constant 0 : i32
      %dma_start3A_13 = arith.constant 0 : i32
      %dma_start3A_14 = tpu.memref_slice %arg3[%add3A, %dma_start3A_12, %dma_start3A_13] : memref<32x125x80xi32, #tpu.memory_space<hbm>> -> memref<1x125x80xi32, #tpu.memory_space<hbm>>
      %dma_start3A_15 = tpu.memref_squeeze %dma_start3A_14 : memref<1x125x80xi32, #tpu.memory_space<hbm>> -> memref<125x80xi32, #tpu.memory_space<hbm>>
      tpu.enqueue_dma source(%dma_start3A_15 : memref<125x80xi32, #tpu.memory_space<hbm>>) target(%arg7 : memref<125x80xi32, #tpu.memory_space<vmem>>) target_semaphore(%run_scoped3A : memref<!tpu.dma_semaphore, #tpu.memory_space<semaphore_mem>>)
      %dma_wait3A = arith.constant 0 : i32
      %dma_wait3A_16 = arith.constant 0 : i32
      %dma_wait3A_17 = tpu.memref_slice %arg3[%add3A, %dma_wait3A, %dma_wait3A_16] : memref<32x125x80xi32, #tpu.memory_space<hbm>> -> memref<1x125x80xi32, #tpu.memory_space<hbm>>
      %dma_wait3A_18 = tpu.memref_squeeze %dma_wait3A_17 : memref<1x125x80xi32, #tpu.memory_space<hbm>> -> memref<125x80xi32, #tpu.memory_space<hbm>>
      %dma_wait3A_19 = arith.constant 0 : i32
      %dma_wait3A_20 = arith.constant 0 : i32
      %dma_wait3A_21 = tpu.memref_slice %arg3[%add3A, %dma_wait3A_19, %dma_wait3A_20] : memref<32x125x80xi32, #tpu.memory_space<hbm>> -> memref<1x125x80xi32, #tpu.memory_space<hbm>>
      %dma_wait3A_22 = tpu.memref_squeeze %dma_wait3A_21 : memref<1x125x80xi32, #tpu.memory_space<hbm>> -> memref<125x80xi32, #tpu.memory_space<hbm>>
      tpu.wait_dma2 semaphore(%run_scoped3A : memref<!tpu.dma_semaphore, #tpu.memory_space<semaphore_mem>>) src(%dma_wait3A_22 : memref<125x80xi32, #tpu.memory_space<hbm>>) dst(%arg7 : memref<125x80xi32, #tpu.memory_space<vmem>>)
      tpu.yield
    }) : () -> ()
    "tpu.region"() ({
      %run_scoped3A = tpu.sem_alloc : memref<!tpu.dma_semaphore, #tpu.memory_space<semaphore_mem>>
      %dma_start3A = arith.constant 0 : i32
      %dma_start3A_9 = arith.constant 0 : i32
      %dma_start3A_10 = tpu.memref_slice %arg4[%add3A, %dma_start3A, %dma_start3A_9] : memref<32x125x80xi32, #tpu.memory_space<hbm>> -> memref<1x125x80xi32, #tpu.memory_space<hbm>>
      %dma_start3A_11 = tpu.memref_squeeze %dma_start3A_10 : memref<1x125x80xi32, #tpu.memory_space<hbm>> -> memref<125x80xi32, #tpu.memory_space<hbm>>
      %dma_start3A_12 = arith.constant 0 : i32
      %dma_start3A_13 = arith.constant 0 : i32
      %dma_start3A_14 = tpu.memref_slice %arg4[%add3A, %dma_start3A_12, %dma_start3A_13] : memref<32x125x80xi32, #tpu.memory_space<hbm>> -> memref<1x125x80xi32, #tpu.memory_space<hbm>>
      %dma_start3A_15 = tpu.memref_squeeze %dma_start3A_14 : memref<1x125x80xi32, #tpu.memory_space<hbm>> -> memref<125x80xi32, #tpu.memory_space<hbm>>
      tpu.enqueue_dma source(%dma_start3A_15 : memref<125x80xi32, #tpu.memory_space<hbm>>) target(%arg8 : memref<125x80xi32, #tpu.memory_space<vmem>>) target_semaphore(%run_scoped3A : memref<!tpu.dma_semaphore, #tpu.memory_space<semaphore_mem>>)
      %dma_wait3A = arith.constant 0 : i32
      %dma_wait3A_16 = arith.constant 0 : i32
      %dma_wait3A_17 = tpu.memref_slice %arg4[%add3A, %dma_wait3A, %dma_wait3A_16] : memref<32x125x80xi32, #tpu.memory_space<hbm>> -> memref<1x125x80xi32, #tpu.memory_space<hbm>>
      %dma_wait3A_18 = tpu.memref_squeeze %dma_wait3A_17 : memref<1x125x80xi32, #tpu.memory_space<hbm>> -> memref<125x80xi32, #tpu.memory_space<hbm>>
      %dma_wait3A_19 = arith.constant 0 : i32
      %dma_wait3A_20 = arith.constant 0 : i32
      %dma_wait3A_21 = tpu.memref_slice %arg4[%add3A, %dma_wait3A_19, %dma_wait3A_20] : memref<32x125x80xi32, #tpu.memory_space<hbm>> -> memref<1x125x80xi32, #tpu.memory_space<hbm>>
      %dma_wait3A_22 = tpu.memref_squeeze %dma_wait3A_21 : memref<1x125x80xi32, #tpu.memory_space<hbm>> -> memref<125x80xi32, #tpu.memory_space<hbm>>
      tpu.wait_dma2 semaphore(%run_scoped3A : memref<!tpu.dma_semaphore, #tpu.memory_space<semaphore_mem>>) src(%dma_wait3A_22 : memref<125x80xi32, #tpu.memory_space<hbm>>) dst(%arg8 : memref<125x80xi32, #tpu.memory_space<vmem>>)
      tpu.yield
    }) : () -> ()
    %barrier3A = arith.constant 0 : index
    tpu.barrier barrier_id(%barrier3A)
    %scan3A = arith.constant 0 : i32
    %scan3A_3 = arith.constant 0 : i32
    %scan3A_4 = arith.constant 125 : i32
    %scan3A_5 = arith.addi %scan3A_3, %scan3A_4 : i32
    %scan3A_6 = arith.constant 1 : i32
    scf.for %scan3A_9 = %scan3A_3 to %scan3A_5 step %scan3A_6  : i32 {
      %dma_start3A = arith.constant 0 : i32
      %dma_start3A_10 = tpu.memref_slice %arg7[%scan3A_9, %dma_start3A] : memref<125x80xi32, #tpu.memory_space<vmem>> -> memref<1x80xi32, #tpu.memory_space<vmem>>
      %dma_start3A_11 = tpu.memref_squeeze %dma_start3A_10 : memref<1x80xi32, #tpu.memory_space<vmem>> -> memref<80xi32, #tpu.memory_space<vmem>>
      %dma_start3A_12 = arith.constant 0 : i32
      %dma_start3A_13 = arith.constant 0 : i32
      %dma_start3A_14 = tpu.memref_slice %arg2[%dma_start3A_12, %dma_start3A_13] : memref<10000x128xf32, #tpu.memory_space<hbm>> -> memref<10000x128xf32, #tpu.memory_space<hbm>>
      tpu.enqueue_indirect_dma source(%dma_start3A_14 : memref<10000x128xf32, #tpu.memory_space<hbm>>) target(%arg9 : memref<80x128xf32, #tpu.memory_space<vmem>>) offsets(%dma_start3A_11 : memref<80xi32, #tpu.memory_space<vmem>>) semaphore(%arg11 : memref<!tpu.dma_semaphore, #tpu.memory_space<semaphore_mem>>)
      %dma_wait3A = arith.constant 0 : i32
      %dma_wait3A_15 = tpu.memref_slice %arg7[%scan3A_9, %dma_wait3A] : memref<125x80xi32, #tpu.memory_space<vmem>> -> memref<1x80xi32, #tpu.memory_space<vmem>>
      %dma_wait3A_16 = tpu.memref_squeeze %dma_wait3A_15 : memref<1x80xi32, #tpu.memory_space<vmem>> -> memref<80xi32, #tpu.memory_space<vmem>>
      %dma_wait3A_17 = arith.constant 0 : i32
      %dma_wait3A_18 = arith.constant 0 : i32
      %dma_wait3A_19 = tpu.memref_slice %arg2[%dma_wait3A_17, %dma_wait3A_18] : memref<10000x128xf32, #tpu.memory_space<hbm>> -> memref<10000x128xf32, #tpu.memory_space<hbm>>
      tpu.wait_indirect_dma semaphore(%arg11 : memref<!tpu.dma_semaphore, #tpu.memory_space<semaphore_mem>>) src(%dma_wait3A_19 : memref<10000x128xf32, #tpu.memory_space<hbm>>) dst(%arg9 : memref<80x128xf32, #tpu.memory_space<vmem>>)
      "tpu.region"() ({
        %run_scoped3A = tpu.sem_alloc : memref<!tpu.dma_semaphore, #tpu.memory_space<semaphore_mem>>
        %dma_start3A_20 = arith.constant 0 : i32
        %dma_start3A_21 = tpu.memref_slice %arg8[%scan3A_9, %dma_start3A_20] : memref<125x80xi32, #tpu.memory_space<vmem>> -> memref<1x80xi32, #tpu.memory_space<vmem>>
        %dma_start3A_22 = tpu.memref_squeeze %dma_start3A_21 : memref<1x80xi32, #tpu.memory_space<vmem>> -> memref<80xi32, #tpu.memory_space<vmem>>
        %dma_start3A_23 = arith.constant 0 : i32
        %dma_start3A_24 = arith.constant 0 : i32
        %dma_start3A_25 = tpu.memref_slice %arg10[%dma_start3A_23, %dma_start3A_24] : memref<10000x128xf32, #tpu.memory_space<vmem_shared>> -> memref<10000x128xf32, #tpu.memory_space<vmem_shared>>
        tpu.enqueue_indirect_dma source(%arg9 : memref<80x128xf32, #tpu.memory_space<vmem>>) target(%dma_start3A_25 : memref<10000x128xf32, #tpu.memory_space<vmem_shared>>) offsets(%dma_start3A_22 : memref<80xi32, #tpu.memory_space<vmem>>) semaphore(%run_scoped3A : memref<!tpu.dma_semaphore, #tpu.memory_space<semaphore_mem>>) {add = true}
        %dma_wait3A_26 = arith.constant 0 : i32
        %dma_wait3A_27 = tpu.memref_slice %arg8[%scan3A_9, %dma_wait3A_26] : memref<125x80xi32, #tpu.memory_space<vmem>> -> memref<1x80xi32, #tpu.memory_space<vmem>>
        %dma_wait3A_28 = tpu.memref_squeeze %dma_wait3A_27 : memref<1x80xi32, #tpu.memory_space<vmem>> -> memref<80xi32, #tpu.memory_space<vmem>>
        %dma_wait3A_29 = arith.constant 0 : i32
        %dma_wait3A_30 = arith.constant 0 : i32
        %dma_wait3A_31 = tpu.memref_slice %arg10[%dma_wait3A_29, %dma_wait3A_30] : memref<10000x128xf32, #tpu.memory_space<vmem_shared>> -> memref<10000x128xf32, #tpu.memory_space<vmem_shared>>
        tpu.wait_indirect_dma semaphore(%run_scoped3A : memref<!tpu.dma_semaphore, #tpu.memory_space<semaphore_mem>>) src(%arg9 : memref<80x128xf32, #tpu.memory_space<vmem>>) dst(%dma_wait3A_31 : memref<10000x128xf32, #tpu.memory_space<vmem_shared>>)
        tpu.yield
      }) : () -> ()
    }
    %scan3A_7 = arith.constant 125 : i32
    %barrier3A_8 = arith.constant 0 : index
    tpu.barrier barrier_id(%barrier3A_8)
    "tpu.region"() ({
      %run_scoped3A = tpu.sem_alloc : memref<!tpu.dma_semaphore, #tpu.memory_space<semaphore_mem>>
      %dma_start3A = arith.constant 0 : i32
      %dma_start3A_9 = tpu.memref_slice %arg6[%arg0, %mul3A_2, %dma_start3A] : memref<2x10000x128xf32, #tpu.memory_space<hbm>> -> memref<1x625x128xf32, #tpu.memory_space<hbm>>
      %dma_start3A_10 = tpu.memref_squeeze %dma_start3A_9 : memref<1x625x128xf32, #tpu.memory_space<hbm>> -> memref<625x128xf32, #tpu.memory_space<hbm>>
      %dma_start3A_11 = arith.constant 0 : i32
      %dma_start3A_12 = tpu.memref_slice %arg10[%mul3A_2, %dma_start3A_11] : memref<10000x128xf32, #tpu.memory_space<vmem_shared>> -> memref<625x128xf32, #tpu.memory_space<vmem_shared>>
      tpu.enqueue_dma source(%dma_start3A_12 : memref<625x128xf32, #tpu.memory_space<vmem_shared>>) target(%dma_start3A_10 : memref<625x128xf32, #tpu.memory_space<hbm>>) target_semaphore(%run_scoped3A : memref<!tpu.dma_semaphore, #tpu.memory_space<semaphore_mem>>)
      %dma_wait3A = arith.constant 0 : i32
      %dma_wait3A_13 = tpu.memref_slice %arg6[%arg0, %mul3A_2, %dma_wait3A] : memref<2x10000x128xf32, #tpu.memory_space<hbm>> -> memref<1x625x128xf32, #tpu.memory_space<hbm>>
      %dma_wait3A_14 = tpu.memref_squeeze %dma_wait3A_13 : memref<1x625x128xf32, #tpu.memory_space<hbm>> -> memref<625x128xf32, #tpu.memory_space<hbm>>
      %dma_wait3A_15 = arith.constant 0 : i32
      %dma_wait3A_16 = tpu.memref_slice %arg10[%mul3A_2, %dma_wait3A_15] : memref<10000x128xf32, #tpu.memory_space<vmem_shared>> -> memref<625x128xf32, #tpu.memory_space<vmem_shared>>
      tpu.wait_dma2 semaphore(%run_scoped3A : memref<!tpu.dma_semaphore, #tpu.memory_space<semaphore_mem>>) src(%dma_wait3A_16 : memref<625x128xf32, #tpu.memory_space<vmem_shared>>) dst(%dma_wait3A_14 : memref<625x128xf32, #tpu.memory_space<hbm>>)
      tpu.yield
    }) : () -> ()
    return
  }
}

module attributes {stable_mosaic.version = 14 : i64} {
  func.func @_deg_mm_body(%arg0: memref<2x10000x16xf32, #tpu.memory_space<vmem>>, %arg1: memref<10000x128xf32, #tpu.memory_space<vmem>>, %arg2: memref<128x128xf32, #tpu.memory_space<vmem>>, %arg3: memref<10000x128xf32, #tpu.memory_space<vmem>>, %arg4: memref<10000x1xf32, #tpu.memory_space<vmem>>) attributes {dimension_semantics = [], scalar_prefetch = 0 : i64, scratch_operands = 0 : i64, tpu.core_type = #tpu.core_type<tc>} {
    %get3A = arith.constant 0 : index
    %get3A_0 = arith.constant 0 : index
    %get3A_1 = arith.constant 0 : index
    %get3A_2 = vector.load %arg0[%get3A, %get3A_0, %get3A_1] : memref<2x10000x16xf32, #tpu.memory_space<vmem>>, vector<1x10000x1xf32>
    %get3A_3 = vector.shape_cast %get3A_2 : vector<1x10000x1xf32> to vector<10000x1xf32>
    %get3A_4 = arith.constant 1 : index
    %get3A_5 = arith.constant 0 : index
    %get3A_6 = arith.constant 0 : index
    %get3A_7 = vector.load %arg0[%get3A_4, %get3A_5, %get3A_6] : memref<2x10000x16xf32, #tpu.memory_space<vmem>>, vector<1x10000x1xf32>
    %get3A_8 = vector.shape_cast %get3A_7 : vector<1x10000x1xf32> to vector<10000x1xf32>
    %add3A = arith.addf %get3A_3, %get3A_8 : vector<10000x1xf32>
    %add3A_9 = arith.constant 1.000000e+00 : f32
    %add3A_10 = vector.broadcast %add3A_9 : f32 to vector<10000x1xf32>
    %add3A_11 = arith.addf %add3A, %add3A_10 : vector<10000x1xf32>
    %rsqrt3A = math.rsqrt %add3A_11 : vector<10000x1xf32>
    %get3A_12 = arith.constant 0 : index
    %get3A_13 = arith.constant 0 : index
    %get3A_14 = vector.load %arg1[%get3A_12, %get3A_13] : memref<10000x128xf32, #tpu.memory_space<vmem>>, vector<10000x128xf32>
    %get3A_15 = arith.constant 0 : index
    %get3A_16 = arith.constant 0 : index
    %get3A_17 = vector.load %arg2[%get3A_15, %get3A_16] : memref<128x128xf32, #tpu.memory_space<vmem>>, vector<128x128xf32>
    %dot_general3A = arith.constant dense<0.000000e+00> : vector<10000x128xf32>
    %dot_general3A_18 = tpu.matmul %get3A_14, %get3A_17, %dot_general3A {dimension_numbers = #tpu.dot_dimension_numbers<[1], [0], [0], [1], [0, 0, 1, 1], [], []>, transpose_lhs_hint = false} : vector<10000x128xf32>, vector<128x128xf32>, vector<10000x128xf32> -> vector<10000x128xf32>
    %mul3A = vector.broadcast %rsqrt3A : vector<10000x1xf32> to vector<10000x128xf32>
    %mul3A_19 = arith.mulf %dot_general3A_18, %mul3A : vector<10000x128xf32>
    %swap3A = arith.constant 0 : index
    %swap3A_20 = arith.constant 0 : index
    %swap3A_21 = vector.load %arg3[%swap3A, %swap3A_20] : memref<10000x128xf32, #tpu.memory_space<vmem>>, vector<10000x128xf32>
    tpu.vector_store %arg3[%swap3A, %swap3A_20], %mul3A_19 {strides = array<i32>} : memref<10000x128xf32, #tpu.memory_space<vmem>>, vector<10000x128xf32>,
    %swap3A_22 = arith.constant 0 : index
    %swap3A_23 = arith.constant 0 : index
    %swap3A_24 = vector.load %arg4[%swap3A_22, %swap3A_23] : memref<10000x1xf32, #tpu.memory_space<vmem>>, vector<10000x1xf32>
    tpu.vector_store %arg4[%swap3A_22, %swap3A_23], %rsqrt3A {strides = array<i32>} : memref<10000x1xf32, #tpu.memory_space<vmem>>, vector<10000x1xf32>,
    return
  }
}

module attributes {stable_mosaic.version = 14 : i64} {
  func.func @_mid_body(%arg0: memref<2x10000x128xf32, #tpu.memory_space<vmem>>, %arg1: memref<10000x128xf32, #tpu.memory_space<vmem>>, %arg2: memref<10000x1xf32, #tpu.memory_space<vmem>>, %arg3: memref<1x128xf32, #tpu.memory_space<vmem>>, %arg4: memref<128x128xf32, #tpu.memory_space<vmem>>, %arg5: memref<10000x128xf32, #tpu.memory_space<vmem>>) attributes {dimension_semantics = [], scalar_prefetch = 0 : i64, scratch_operands = 0 : i64, tpu.core_type = #tpu.core_type<tc>} {
    %get3A = arith.constant 0 : index
    %get3A_0 = arith.constant 0 : index
    %get3A_1 = vector.load %arg2[%get3A, %get3A_0] : memref<10000x1xf32, #tpu.memory_space<vmem>>, vector<10000x1xf32>
    %get3A_2 = arith.constant 0 : index
    %get3A_3 = arith.constant 0 : index
    %get3A_4 = arith.constant 0 : index
    %get3A_5 = vector.load %arg0[%get3A_2, %get3A_3, %get3A_4] : memref<2x10000x128xf32, #tpu.memory_space<vmem>>, vector<1x10000x128xf32>
    %get3A_6 = vector.shape_cast %get3A_5 : vector<1x10000x128xf32> to vector<10000x128xf32>
    %get3A_7 = arith.constant 1 : index
    %get3A_8 = arith.constant 0 : index
    %get3A_9 = arith.constant 0 : index
    %get3A_10 = vector.load %arg0[%get3A_7, %get3A_8, %get3A_9] : memref<2x10000x128xf32, #tpu.memory_space<vmem>>, vector<1x10000x128xf32>
    %get3A_11 = vector.shape_cast %get3A_10 : vector<1x10000x128xf32> to vector<10000x128xf32>
    %add3A = arith.addf %get3A_6, %get3A_11 : vector<10000x128xf32>
    %get3A_12 = arith.constant 0 : index
    %get3A_13 = arith.constant 0 : index
    %get3A_14 = vector.load %arg1[%get3A_12, %get3A_13] : memref<10000x128xf32, #tpu.memory_space<vmem>>, vector<10000x128xf32>
    %add3A_15 = arith.addf %add3A, %get3A_14 : vector<10000x128xf32>
    %mul3A = vector.broadcast %get3A_1 : vector<10000x1xf32> to vector<10000x128xf32>
    %mul3A_16 = arith.mulf %add3A_15, %mul3A : vector<10000x128xf32>
    %get3A_17 = arith.constant 0 : index
    %get3A_18 = arith.constant 0 : index
    %get3A_19 = vector.load %arg3[%get3A_17, %get3A_18] : memref<1x128xf32, #tpu.memory_space<vmem>>, vector<1x128xf32>
    %add3A_20 = vector.broadcast %get3A_19 : vector<1x128xf32> to vector<10000x128xf32>
    %add3A_21 = arith.addf %mul3A_16, %add3A_20 : vector<10000x128xf32>
    %max3A = arith.constant 0.000000e+00 : f32
    %max3A_22 = vector.broadcast %max3A : f32 to vector<10000x128xf32>
    %max3A_23 = arith.maximumf %add3A_21, %max3A_22 : vector<10000x128xf32>
    %get3A_24 = arith.constant 0 : index
    %get3A_25 = arith.constant 0 : index
    %get3A_26 = vector.load %arg4[%get3A_24, %get3A_25] : memref<128x128xf32, #tpu.memory_space<vmem>>, vector<128x128xf32>
    %dot_general3A = arith.constant dense<0.000000e+00> : vector<10000x128xf32>
    %dot_general3A_27 = tpu.matmul %max3A_23, %get3A_26, %dot_general3A {dimension_numbers = #tpu.dot_dimension_numbers<[1], [0], [0], [1], [0, 0, 1, 1], [], []>, transpose_lhs_hint = false} : vector<10000x128xf32>, vector<128x128xf32>, vector<10000x128xf32> -> vector<10000x128xf32>
    %mul3A_28 = vector.broadcast %get3A_1 : vector<10000x1xf32> to vector<10000x128xf32>
    %mul3A_29 = arith.mulf %dot_general3A_27, %mul3A_28 : vector<10000x128xf32>
    %swap3A = arith.constant 0 : index
    %swap3A_30 = arith.constant 0 : index
    %swap3A_31 = vector.load %arg5[%swap3A, %swap3A_30] : memref<10000x128xf32, #tpu.memory_space<vmem>>, vector<10000x128xf32>
    tpu.vector_store %arg5[%swap3A, %swap3A_30], %mul3A_29 {strides = array<i32>} : memref<10000x128xf32, #tpu.memory_space<vmem>>, vector<10000x128xf32>,
    return
  }
}

module attributes {stable_mosaic.version = 14 : i64} {
  func.func @_fin_mm_body(%arg0: memref<2x10000x128xf32, #tpu.memory_space<vmem>>, %arg1: memref<10000x128xf32, #tpu.memory_space<vmem>>, %arg2: memref<10000x1xf32, #tpu.memory_space<vmem>>, %arg3: memref<1x128xf32, #tpu.memory_space<vmem>>, %arg4: memref<128x1xf32, #tpu.memory_space<vmem>>, %arg5: memref<10000x16xf32, #tpu.memory_space<vmem>>) attributes {dimension_semantics = [], scalar_prefetch = 0 : i64, scratch_operands = 0 : i64, tpu.core_type = #tpu.core_type<tc>} {
    %get3A = arith.constant 0 : index
    %get3A_0 = arith.constant 0 : index
    %get3A_1 = vector.load %arg2[%get3A, %get3A_0] : memref<10000x1xf32, #tpu.memory_space<vmem>>, vector<10000x1xf32>
    %get3A_2 = arith.constant 0 : index
    %get3A_3 = arith.constant 0 : index
    %get3A_4 = arith.constant 0 : index
    %get3A_5 = vector.load %arg0[%get3A_2, %get3A_3, %get3A_4] : memref<2x10000x128xf32, #tpu.memory_space<vmem>>, vector<1x10000x128xf32>
    %get3A_6 = vector.shape_cast %get3A_5 : vector<1x10000x128xf32> to vector<10000x128xf32>
    %get3A_7 = arith.constant 1 : index
    %get3A_8 = arith.constant 0 : index
    %get3A_9 = arith.constant 0 : index
    %get3A_10 = vector.load %arg0[%get3A_7, %get3A_8, %get3A_9] : memref<2x10000x128xf32, #tpu.memory_space<vmem>>, vector<1x10000x128xf32>
    %get3A_11 = vector.shape_cast %get3A_10 : vector<1x10000x128xf32> to vector<10000x128xf32>
    %add3A = arith.addf %get3A_6, %get3A_11 : vector<10000x128xf32>
    %get3A_12 = arith.constant 0 : index
    %get3A_13 = arith.constant 0 : index
    %get3A_14 = vector.load %arg1[%get3A_12, %get3A_13] : memref<10000x128xf32, #tpu.memory_space<vmem>>, vector<10000x128xf32>
    %add3A_15 = arith.addf %add3A, %get3A_14 : vector<10000x128xf32>
    %mul3A = vector.broadcast %get3A_1 : vector<10000x1xf32> to vector<10000x128xf32>
    %mul3A_16 = arith.mulf %add3A_15, %mul3A : vector<10000x128xf32>
    %get3A_17 = arith.constant 0 : index
    %get3A_18 = arith.constant 0 : index
    %get3A_19 = vector.load %arg3[%get3A_17, %get3A_18] : memref<1x128xf32, #tpu.memory_space<vmem>>, vector<1x128xf32>
    %add3A_20 = vector.broadcast %get3A_19 : vector<1x128xf32> to vector<10000x128xf32>
    %add3A_21 = arith.addf %mul3A_16, %add3A_20 : vector<10000x128xf32>
    %max3A = arith.constant 0.000000e+00 : f32
    %max3A_22 = vector.broadcast %max3A : f32 to vector<10000x128xf32>
    %max3A_23 = arith.maximumf %add3A_21, %max3A_22 : vector<10000x128xf32>
    %get3A_24 = arith.constant 0 : index
    %get3A_25 = arith.constant 0 : index
    %get3A_26 = vector.load %arg4[%get3A_24, %get3A_25] : memref<128x1xf32, #tpu.memory_space<vmem>>, vector<128x1xf32>
    %dot_general3A = arith.constant dense<0.000000e+00> : vector<10000x1xf32>
    %dot_general3A_27 = tpu.matmul %max3A_23, %get3A_26, %dot_general3A {dimension_numbers = #tpu.dot_dimension_numbers<[1], [0], [0], [1], [0, 0, 1, 1], [], []>, transpose_lhs_hint = false} : vector<10000x128xf32>, vector<128x1xf32>, vector<10000x1xf32> -> vector<10000x1xf32>
    %mul3A_28 = arith.mulf %dot_general3A_27, %get3A_1 : vector<10000x1xf32>
    %broadcast_in_dim3A = vector.shape_cast %mul3A_28 : vector<10000x1xf32> to vector<10000x1xf32>
    %broadcast_in_dim3A_29 = vector.broadcast %broadcast_in_dim3A : vector<10000x1xf32> to vector<10000x16xf32>
    %swap3A = arith.constant 0 : index
    %swap3A_30 = arith.constant 0 : index
    %swap3A_31 = vector.load %arg5[%swap3A, %swap3A_30] : memref<10000x16xf32, #tpu.memory_space<vmem>>, vector<10000x16xf32>
    tpu.vector_store %arg5[%swap3A, %swap3A_30], %broadcast_in_dim3A_29 {strides = array<i32>} : memref<10000x16xf32, #tpu.memory_space<vmem>>, vector<10000x16xf32>,
    return
  }
}

module attributes {stable_mosaic.version = 14 : i64} {
  func.func @_out_body(%arg0: memref<2x10000x16xf32, #tpu.memory_space<vmem>>, %arg1: memref<10000x16xf32, #tpu.memory_space<vmem>>, %arg2: memref<10000x1xf32, #tpu.memory_space<vmem>>, %arg3: memref<1x1xf32, #tpu.memory_space<vmem>>, %arg4: memref<10000x1xf32, #tpu.memory_space<vmem>>) attributes {dimension_semantics = [], scalar_prefetch = 0 : i64, scratch_operands = 0 : i64, tpu.core_type = #tpu.core_type<tc>} {
    %get3A = arith.constant 0 : index
    %get3A_0 = arith.constant 0 : index
    %get3A_1 = arith.constant 0 : index
    %get3A_2 = vector.load %arg0[%get3A, %get3A_0, %get3A_1] : memref<2x10000x16xf32, #tpu.memory_space<vmem>>, vector<1x10000x1xf32>
    %get3A_3 = vector.shape_cast %get3A_2 : vector<1x10000x1xf32> to vector<10000x1xf32>
    %get3A_4 = arith.constant 1 : index
    %get3A_5 = arith.constant 0 : index
    %get3A_6 = arith.constant 0 : index
    %get3A_7 = vector.load %arg0[%get3A_4, %get3A_5, %get3A_6] : memref<2x10000x16xf32, #tpu.memory_space<vmem>>, vector<1x10000x1xf32>
    %get3A_8 = vector.shape_cast %get3A_7 : vector<1x10000x1xf32> to vector<10000x1xf32>
    %add3A = arith.addf %get3A_3, %get3A_8 : vector<10000x1xf32>
    %get3A_9 = arith.constant 0 : index
    %get3A_10 = arith.constant 0 : index
    %get3A_11 = vector.load %arg1[%get3A_9, %get3A_10] : memref<10000x16xf32, #tpu.memory_space<vmem>>, vector<10000x1xf32>
    %add3A_12 = arith.addf %add3A, %get3A_11 : vector<10000x1xf32>
    %get3A_13 = arith.constant 0 : index
    %get3A_14 = arith.constant 0 : index
    %get3A_15 = vector.load %arg2[%get3A_13, %get3A_14] : memref<10000x1xf32, #tpu.memory_space<vmem>>, vector<10000x1xf32>
    %mul3A = arith.mulf %add3A_12, %get3A_15 : vector<10000x1xf32>
    %get3A_16 = arith.constant 0 : index
    %get3A_17 = arith.constant 0 : index
    %get3A_18 = vector.load %arg3[%get3A_16, %get3A_17] : memref<1x1xf32, #tpu.memory_space<vmem>>, vector<1x1xf32>
    %add3A_19 = vector.broadcast %get3A_18 : vector<1x1xf32> to vector<10000x1xf32>
    %add3A_20 = arith.addf %mul3A, %add3A_19 : vector<10000x1xf32>
    %swap3A = arith.constant 0 : index
    %swap3A_21 = arith.constant 0 : index
    %swap3A_22 = vector.load %arg4[%swap3A, %swap3A_21] : memref<10000x1xf32, #tpu.memory_space<vmem>>, vector<10000x1xf32>
    tpu.vector_store %arg4[%swap3A, %swap3A_21], %add3A_20 {strides = array<i32>} : memref<10000x1xf32, #tpu.memory_space<vmem>>, vector<10000x1xf32>,
    return
  }
}

</mosaic_0001>

<sc_bundles>
// kernel: kernel.10.cloned.1.call-start
scs
__scs_entry_jumppad:
0x0: {  	(pc) =	sbr.rel $0x88, $3  }
0x1: {  	(tag) =	ssettag $0x0;
	lr =	simm.s32 $0x1  }
0x2: {  	[smem:$0x3F99] =	sst lr;
	_ =	strace $0xD0000000  }
0x3: {  	_ = 	snop  }
0x4: {  	_ = 	snop  }
0x5: {  	_ = 	snop  }
0x6: {  	_ = 	snop  }
0x7: {  	_ = 	snop  }
__scs_overlays_trampoline_lowered:
0x8: {  	[smem:$0x3FA8] =	sst s0  }
0x9: {  	[smem:$0x3FA9] =	sst s1  }
0xa: {  	[smem:$0x3FAA] =	sst s2  }
0xb: {  	[smem:$0x3FAB] =	sst s3  }
0xc: {  	[smem:$0x3FAC] =	sst s4  }
0xd: {  	[smem:$0x3FAD] =	sst s5  }
0xe: {  	[smem:$0x3FAE] =	sst s6  }
0xf: {  	[smem:$0x3FAF] =	sst s7  }
0x10: {  	[smem:$0x3FB0] =	sst s8  }
0x11: {  	[smem:$0x3FB1] =	sst s9;
	s0 =	simm.s32 @!p0 $0x0  }
0x12: {  	s1 =	sld [smem:$0x3F97];
	s0 =	simm.s32 @p0 $0x1  }
0x13: {  	[smem:$0x3FB2] =	sst s0;
	s0 =	simm.s32 @!p1 $0x0  }
0x14: {  	s2 =	sld [smem:$0x3F96];
	s0 =	simm.s32 @p1 $0x1  }
0x15: {  	[smem:$0x3FB3] =	sst s0;
	s0 =	simm.s32 @!p2 $0x0  }
0x16: {  	s3 =	sld [smem:$0x3FDB];
	s0 =	simm.s32 @p2 $0x1  }
0x17: {  	s4 =	simm.s32 $0x1BF5;
	[smem:$0x3FB5] =	sst s0  }
0x18: {  	s0 =	sld [smem:$0x3F98];
	_ =	swait.ge [sflag:s4], $0x0  }
0x19: {  	s7 =	sld [smem:$0x3F99]  }
0x1a: {  	s8 =	sadd.s32 $0xFFFFE003, lr  }
0x1b: {  	s9 =	sadd.s32 $0xFFFFFEF7, lr;
	s5 =	simm.s32 $0xFFFFFFFF;
	p2 =	slt.u32 s8, $0xFFFFF086  }
0x1c: {  	p1 =	slt.u32 s9, $0xF7A;
	s5 =	simm.s32 @!p2 $0x0  }
0x1d: {  	s5 =	simm.s32 @p1 $0x1;
	p0 =	seq.s32 s7, s2  }
0x1e: {  	s7 =	smul.u32 @!p0 $0xF7A, s2;
	p2 =	seq.s32 @!p0 s5, $0x0  }
0x1f: {  	s9 =	smul.u32 $0xF7A, s1;
	s8 =	simm.s32 @!p0 $0x1BF5;
	p2 =	por !p2, p0  }
0x20: {  	[sflag:s8] =	ssyncset.s32 @!p0 $0xFFFFF086;
	s6 =	sadd.s32 @!p0 s3, s7;
	s7 =	simm.s32 @!p0 $0x108  }
0x21: {  	s3 =	sadd.s32 s3, s9;
	s6 =	sadd.s32 @!p0 $0x88, s6;
	s7 =	simm.s32 @p2 $0x1082  }
0x22: {  	[simem:s7], [sflag:s8] =	dma.local @!p0 [hbm:s6], $0xF7A  }
0x23: {  	s9 =	sor.u32 $0xD0000000, s2;
	s6 =	simm.s32 $0x108;
	_ =	swait.ge @!p0 [sflag:s8], $0x0  }
0x24: {  	s3 =	sadd.s32 $0x88, s3;
	s6 =	simm.s32 @!p1 $0x1082;
	[sflag:s4] =	ssyncset.s32 $0xFFFFF086  }
0x25: {  	[simem:s6], [sflag:s4] =	dma.local [hbm:s3], $0xF7A  }
0x26: {  	[smem:$0x3F99] =	sst s1;
	(tag) =	ssettag s2;
	_ =	strace s9  }
0x27: {  	s1 =	sld [smem:$0x3FA9]  }
0x28: {  	s2 =	sld [smem:$0x3FAA]  }
0x29: {  	s4 =	sld [smem:$0x3FAC]  }
0x2a: {  	p0 =	seq.s32 s5, $0x0;
	s5 =	sld [smem:$0x3FAD]  }
0x2b: {  	s6 =	sld [smem:$0x3FAE]  }
0x2c: {  	s7 =	sld [smem:$0x3FAF]  }
0x2d: {  	s3 =	simm.s32 $0x108;
	s8 =	sld [smem:$0x3FB0]  }
0x2e: {  	s3 =	simm.s32 @!p0 $0x1082;
	s9 =	sld [smem:$0x3FB1]  }
0x2f: {  	lr =	sadd.s32 s0, s3;
	s0 =	sld [smem:$0x3FA8]  }
0x30: {  	s3 =	sld [smem:$0x3FAB]  }
0x31: {  	[smem:$0x3FB4] =	sst s10  }
0x32: {  	s10 =	sld [smem:$0x3FB2];
	_ =	sdelay $0x3  }
0x33: {  	p0 =	seq.s32 s10, $0x1;
	s10 =	sld [smem:$0x3FB4];
	_ =	sdelay $0x3  }
0x34: {  	[smem:$0x3FB4] =	sst s10  }
0x35: {  	s10 =	sld [smem:$0x3FB3];
	_ =	sdelay $0x3  }
0x36: {  	p1 =	seq.s32 s10, $0x1;
	s10 =	sld [smem:$0x3FB4];
	_ =	sdelay $0x3  }
0x37: {  	[smem:$0x3FB4] =	sst s10  }
0x38: {  	s10 =	sld [smem:$0x3FB5]  }
0x39: {  	_ = 	snop;
	(pc) =	sbr.ind lr, $3  }
0x3a: {  	_ = 	snop  }
0x3b: {  	_ = 	snop  }
0x3c: {  	p2 =	seq.s32 s10, $0x1;
	s10 =	sld [smem:$0x3FB4]  }
0x3d: {  	_ =	shalt  }
0x3e: {  	_ =	shalt  }
0x3f: {  	_ =	shalt  }
0x40: {  	_ =	shalt  }
0x41: {  	_ =	shalt  }
0x42: {  	_ =	shalt  }
0x43: {  	_ =	shalt  }
0x44: {  	_ =	shalt  }
0x45: {  	_ =	shalt  }
0x46: {  	_ =	shalt  }
0x47: {  	_ =	shalt  }
0x48: {  	_ =	shalt  }
0x49: {  	_ =	shalt  }
0x4a: {  	_ =	shalt  }
0x4b: {  	_ =	shalt  }
0x4c: {  	_ =	shalt  }
0x4d: {  	_ =	shalt  }
0x4e: {  	_ =	shalt  }
0x4f: {  	_ =	shalt  }
0x50: {  	_ =	shalt  }
0x51: {  	_ =	shalt  }
0x52: {  	_ =	shalt  }
0x53: {  	_ =	shalt  }
0x54: {  	_ =	shalt  }
0x55: {  	_ =	shalt  }
0x56: {  	_ =	shalt  }
0x57: {  	_ =	shalt  }
0x58: {  	_ =	shalt  }
0x59: {  	_ =	shalt  }
0x5a: {  	_ =	shalt  }
0x5b: {  	_ =	shalt  }
0x5c: {  	_ =	shalt  }
0x5d: {  	_ =	shalt  }
0x5e: {  	_ =	shalt  }
0x5f: {  	_ =	shalt  }
0x60: {  	_ =	shalt  }
0x61: {  	_ =	shalt  }
0x62: {  	_ =	shalt  }
0x63: {  	_ =	shalt  }
0x64: {  	_ =	shalt  }
0x65: {  	_ =	shalt  }
0x66: {  	_ =	shalt  }
0x67: {  	_ =	shalt  }
0x68: {  	_ =	shalt  }
0x69: {  	_ =	shalt  }
0x6a: {  	_ =	shalt  }
0x6b: {  	_ =	shalt  }
0x6c: {  	_ =	shalt  }
0x6d: {  	_ =	shalt  }
0x6e: {  	_ =	shalt  }
0x6f: {  	_ =	shalt  }
0x70: {  	_ =	shalt  }
0x71: {  	_ =	shalt  }
0x72: {  	_ =	shalt  }
0x73: {  	_ =	shalt  }
0x74: {  	_ =	shalt  }
0x75: {  	_ =	shalt  }
0x76: {  	_ =	shalt  }
0x77: {  	_ =	shalt  }
0x78: {  	_ =	shalt  }
0x79: {  	_ =	shalt  }
0x7a: {  	_ =	shalt  }
0x7b: {  	_ =	shalt  }
0x7c: {  	_ =	shalt  }
0x7d: {  	_ =	shalt  }
0x7e: {  	_ =	shalt  }
0x7f: {  	_ =	shalt  }
0x80: {  	_ =	shalt  }
0x81: {  	_ =	shalt  }
0x82: {  	_ =	shalt  }
0x83: {  	_ =	shalt  }
0x84: {  	_ =	shalt  }
0x85: {  	_ =	shalt  }
0x86: {  	_ =	shalt  }
0x87: {  	_ =	shalt  }
.Lfunc_end0:
.L_simem_size_0:
called_computation_lowered:
.L_overlay_start_0:
0x88: {  	s2 =	sld [smem:$0x3FD9]  }
0x89: {  	s3 =	sld [smem:$0x3FFE];
	_ =	sdelay $0x1  }
0x8a: {  	s1 =	srdreg.scid  }
0x8b: {  	s0 =	sand.u32 $0x1, s1  }
0x8c: {  	s16 =	sshll.u32 s0, $0xA;
	s2 =	sadd.s32 s3, s2  }
0x8d: {  	s2 =	sadd.s32 s2, s16  }
0x8e: {  	[smem:$0x3FC0] =	sst s2  }
0x8f: {  	_ = 	snop  }
0x90: {  	(tm) =	ssettm $0x1  }
0x91: {  	s17 =	sld [smem:$0x3FFB];
	_ =	sdelay $0x3  }
0x92: {  	_ =	strace s17  }
0x93: {  	s2 =	sld [smem:$0x3FFC];
	_ =	sdelay $0x3  }
0x94: {  	_ =	strace s2  }
0x95: {  	s2 =	sld [smem:$0x3FFD];
	_ =	sdelay $0x3  }
0x96: {  	_ =	strace s2  }
0x97: {  	_ =	strace $0x8FFFFFFF  }
0x98: {  	s18 =	sld [smem:$0x3FDB];
	_ =	sdelay $0x1  }
0x99: {  	s19 =	simm.s32 $_scs_section_size  }
0x9a: {  	s4 =	simm.s32 $_size__tile_overlayer_lowered;
	s5 =	simm.s32 $_tile_overlayer_lowered  }
0x9b: {  	s22 =	simm.s32 $0x1BFF;
	s21 =	sshll.u32 s5, $0x1;
	s2 =	sadd.s32 s19, s18  }
0x9c: {  	s6 =	simm.s32 $0x0;
	s20 =	sshll.u32 s4, $0x1;
	s4 =	sadd.s32 s21, s2  }
0x9d: {  	[timem:s6], [sflag:s22] =	dma.local [hbm:s4], s20  }
0x9e: {  	_ =	swait.ge [sflag:s22], s20  }
0x9f: {  	s3 =	ssub.s32 $0x0, s20;
	[sflag:s22] =	ssyncset.done $0x0  }
0xa0: {  	[sflag:s22] =	ssyncadd.s32 s3;
	_ =	sdelay $0x1  }
0xa1: {  	s23 =	simm.s32 $0x1B8B  }
0xa2: {  	_ =	swait.ge [sflag:s23], $0x1  }
0xa3: {  	[sflag:s23] =	ssyncset.done $0x0  }
0xa4: {  	s25 =	simm.s32 $0x1B8E;
	s24 =	sld [smem:$0x3FFE];
	[sflag:s23] =	ssyncadd.s32 $0xFFFFFFFF  }
0xa5: {  	s26 =	simm.s32 $execute0_lowered;
	[smem:$0x3FD2] =	sst s25  }
0xa6: {  	s4 =	sshll.u32 s26, $0x1;
	_ =	strace $0x80000046;
	[dreg:$0x1] =	wrdreg $0xFFFFFFFF  }
0xa7: {  	s28 =	simm.s32 $_size_execute0_lowered;
	s2 =	sadd.s32 s2, s4;
	[dreg:$0x0] =	wrdreg $0x0  }
0xa8: {  	s4 =	sshll.u32 s28, $0x1;
	[dreg:$0x2] =	wrdreg s2  }
0xa9: {  	[dreg:$0x3] =	wrdreg s4  }
0xaa: {  	[dreg:$0x4] =	wrdreg $0xC0  }
0xab: {  	_ =	task [dreg:s6], $0x5FFFF  }
0xac: {  	[dreg:$0x1] =	wrdreg $0xFFFFFFFF  }
0xad: {  	[dreg:$0x0] =	wrdreg $0x60  }
0xae: {  	[dreg:$0x2] =	wrdreg s24  }
0xaf: {  	[dreg:$0x3] =	wrdreg $0x53200  }
0xb0: {  	[dreg:$0x4] =	wrdreg $0x9  }
0xb1: {  	_ =	task.clear_ibuf [dreg:s6], $0x5FFFF;
	_ =	strace $0x90000046  }
0xb2: {  	s29 =	simm.s32 $0x9;
	_ =	strace $0x80000048  }
0xb3: {  	_ =	swait.ge [sflag:s29], $0x1  }
0xb4: {  	[sflag:s29] =	ssyncadd.s32 $0xFFFFFFFF  }
0xb5: {  	_ =	strace $0x90000048  }
0xb6: {  	_ =	sfence  }
0xb7: {  	s30 =	sld [smem:$0x0];
	_ =	sdelay $0x2  }
0xb8: {  	s31 =	sshll.u32 s1, $0xD;
	s1 =	sshrl.u32 s1, $0x2  }
0xb9: {  	s3 =	sand.u32 $0x4000, s31;
	s1 =	sadd.s32 s1, s30  }
0xba: {  	s0 =	sor.u32 s3, s0;
	s1 =	sshll.u32 s1, $0x11  }
0xbb: {  	s0 =	sor.u32 s1, s0  }
0xbc: {  	s0 =	sadd.s32 $0x8F2B, s0  }
0xbd: {  	[sflag:s0] =	ssyncadd.remote.s32 $0x1  }
0xbe: {  	_ =	sfence.sel $0xFFFF  }
0xbf: {  	[dreg:$0x0] =	wrdreg $0xFFFFFFFF;
	(pc) =	sbr.abs _section_cstart, $3  }
0xc0: {  	[dreg:$0x1] =	wrdreg $0xFFFFFFFF  }
0xc1: {  	_ =	task.clear_ibuf [dreg:s6], $0x2FFFF;
	_ =	strace $0x9FFFFFFF  }
0xc2: {  	(tm) =	ssettm $0x7FFFFFFF  }
0xc3: {  	_ =	shalt  }
tec
execute0_lowered:
.L_overlay_start_1:
0x0: {  	(tag) =	ssettag $0x1  }
0x1: {  	s1 =	srdreg.scid  }
0x2: {  	s0 =	stileid.u32;
	s6 =	rddreg [dreg:$0x0]  }
0x3: {  	s2 =	rddreg [dreg:$0x1];
	s3 =	simm.s32 $0x0;
	s14 =	simm.s32 $0x50  }
0x4: {  	s15 =	simm.s32 $0x4E20;
	s16 =	simm.s32 $0x1;
	s17 =	simm.s32 $0x0  }
0x5: {  	s5 =	sand.u32 $0x1, s1;
	s28 =	sshll.u32 s0, $0x1;
	s8 =	smul.u32 $0x2710, s0  }
0x6: {  	[smem:$0x7FF] =	sst s3;
	s4 =	sadd.s32 $0x1B000, s6;
	s31 =	sshll.u32 s0, $0x6  }
0x7: {  	s1 =	sor.u32 s5, s28;
	s9 =	smul.u32 $0x27100, s5;
	s5 =	ssub.s32 $0x2, s5  }
0x8: {  	s7 =	smul.u32 $0x4E2, s1;
	s1 =	rddreg [dreg:$0x2];
	_ =	strace $0x80000047  }
0x9: {  	s30 =	sshrl.u32 s8, $0x3;
	s11 =	sshrl.u32 s5, $0x1;
	s13 =	sadd.s32 s8, s2  }
0xa: {  	s29 =	sadd.s32 s8, s9;
	s9 =	sadd.s32 s30, s6;
	s11 =	ssub.s32 s5, s11  }
0xb: {  	s10 =	sadd.s32 s7, s6;
	s7 =	sshrl.u32 s29, $0x3;
	s5 =	sadd.s32 $0x16000, s9  }
0xc: {  	s12 =	sadd.s32 s7, s6;
	s6 =	sor.u32 $0x1C02, s31;
	s7 =	sadd.s32 $0xC200, s10  }
0xd: {  	s8 =	sadd.s32 $0x2400, s10;
	s10 =	smax.u32 s11, $0x1;
	s11 =	sshrl.u32 s13, $0x3  }
0xe: {  	s13 =	simm.s32 $0x2710;
	s9 =	sadd.s32 $0x20000, s12;
	s12 =	simm.s32 $0x2  }
.LBB2_1:
0xf: {  	[spmem:s11], [sflag:s6] =	dma.local [hbm:s5], $0x4E2  }
0x10: {  	_ =	swait.ge [sflag:s12], $0x4E2  }
0x11: {  	[sflag:s12] =	ssyncset.done $0x0  }
0x12: {  	[sflag:s12] =	ssyncadd.s32 $0xFFFFFB1E  }
0x13: {  	[tilespmem:s3], [sflag:$0x2] =	stream.linear.gather [hbm4b:s7+s3], $0x2710, $0x38;
	[tilespmem:$0x7A30] =	vst v63  }
0x14: {  	_ =	swait.ge [sflag:s12], $0x2710  }
0x15: {  	[sflag:s12] =	ssyncset.done $0x0  }
0x16: {  	[sflag:s12] =	ssyncadd.s32 $0xFFFFD8F0  }
0x17: {  	[tilespmem:s13], [sflag:$0x2] =	stream.linear.gather [hbm4b:s8+s3], $0x2710, $0x38;
	[tilespmem:$0x7A30] =	vst v63  }
0x18: {  	_ =	swait.ge [sflag:s12], $0x2710  }
0x19: {  	[sflag:s12] =	ssyncset.done $0x0  }
0x1a: {  	[sflag:s12] =	ssyncadd.s32 $0xFFFFD8F0  }
0x1b: {  	s18 =	simm.s32 $0x0;
	[bflag:$0x0] =	sbarrier.arrive $0xFFFF  }
0x1c: {  	[tilespmem:s15], [sflag:$0x1] =	stream.indirect.gather [hbm4b:s4+s14], $0x10, s18, s14, $0xb8;
	[tilespmem:$0x7A30] =	vst v63  }
0x1d: {  	_ =	swait.ge [sflag:s16], $0x500  }
0x1e: {  	[sflag:s16] =	ssyncset.done $0x0  }
0x1f: {  	s31 =	simm.s32 $0x2710;
	[sflag:s16] =	ssyncadd.s32 $0xFFFFFB00  }
0x20: {  	[spmem:s2] =	stream.indirect.scatter.add.f32 [tilespmem:s15], [sflag:$0x2], $0x10, s31, s14, $0xb8;
	[tilespmem:$0x7A30] =	vst v63  }
0x21: {  	_ =	swait.ge [sflag:s12], $0x500  }
0x22: {  	s19 =	simm.s32 $0x280;
	s18 =	simm.s32 $0x140;
	[sflag:s12] =	ssyncset.done $0x0  }
.LBB2_2:
0x23: {  	s20 =	sshra.s32 s18, $0x2  }
0x24: {  	[sflag:s12] =	ssyncadd.s32 $0xFFFFFB00;
	s18 =	smov.u32 s19;
	s21 =	sadd.s32 $0x140, s19  }
0x25: {  	[tilespmem:s15], [sflag:$0x1] =	stream.indirect.gather [hbm4b:s4+s14], $0x10, s20, s14, $0xb8;
	[tilespmem:$0x7A30] =	vst v63  }
0x26: {  	p0 =	sne.s32 s19, $0x9B00;
	_ =	swait.ge [sflag:s16], $0x500  }
.Ltmp0:
0x27: {  	[sflag:s16] =	ssyncset.done $0x0;
	(pc) =	sbr.rel @p0 .LBB2_2-.Ltmp0, $4  }
0x28: {  	s19 =	sadd.s32 $0x2710, s20;
	[sflag:s16] =	ssyncadd.s32 $0xFFFFFB00  }
0x29: {  	[spmem:s2] =	stream.indirect.scatter.add.f32 [tilespmem:s15], [sflag:$0x2], $0x10, s19, s14, $0xb8;
	[tilespmem:$0x7A30] =	vst v63  }
0x2a: {  	_ =	swait.ge [sflag:s12], $0x500  }
0x2b: {  	s19 =	smov.u32 s21;
	[sflag:s12] =	ssyncset.done $0x0  }
0x2c: {  	s18 =	sshra.s32 s18, $0x2;
	[sflag:s12] =	ssyncadd.s32 $0xFFFFFB00  }
0x2d: {  	[tilespmem:s15], [sflag:$0x1] =	stream.indirect.gather [hbm4b:s4+s14], $0x10, s18, s14, $0xb8;
	[tilespmem:$0x7A30] =	vst v63  }
0x2e: {  	_ =	swait.ge [sflag:s16], $0x500  }
0x2f: {  	[sflag:s16] =	ssyncset.done $0x0  }
0x30: {  	s18 =	sadd.s32 $0x2710, s18;
	[sflag:s16] =	ssyncadd.s32 $0xFFFFFB00  }
0x31: {  	[spmem:s2] =	stream.indirect.scatter.add.f32 [tilespmem:s15], [sflag:$0x2], $0x10, s18, s14, $0xb8;
	[tilespmem:$0x7A30] =	vst v63  }
0x32: {  	_ =	swait.ge [sflag:s12], $0x500  }
0x33: {  	s17 =	sadd.s32 $0x1, s17;
	[sflag:s12] =	ssyncset.done $0x0  }
0x34: {  	p0 =	sne.s32 s17, s10;
	[sflag:s12] =	ssyncadd.s32 $0xFFFFFB00  }
.Ltmp1:
0x35: {  	[bflag:$0x0] =	sbarrier.arrive $0xFFFF;
	(pc) =	sbr.rel @p0 .LBB2_1-.Ltmp1, $4  }
0x36: {  	[hbm:s9], [sflag:s6] =	dma.local [spmem:s11], $0x4E2  }
0x37: {  	_ =	swait.ge [sflag:s12], $0x4E2  }
0x38: {  	[sflag:s12] =	ssyncset.done $0x0  }
0x39: {  	[sflag:s12] =	ssyncadd.s32 $0xFFFFFB1E  }
0x3a: {  	_ =	sfence.sel $0x180000  }
0x3b: {  	[bflag:$0x0] =	sbarrier.arrive $0xFFFF  }
0x3c: {  	p0 =	sne.s32 s0, $0x0;
	_ =	strace $0x90000047  }
0x3d: {  	s0 =	sadd.s32 @!p0 $0x100000, s1;
	[bflag:$0x2] =	sbarrier.arrive $0xFFFF  }
0x3e: {  	[sflag:s0] =	ssyncadd.tile.s32 @!p0 $0x1;
	_ =	shalt  }
.Lfunc_end2:
_tile_overlayer_lowered:
.L_overlay_start_2:
0x3f: {  	(tag) =	ssettag $0x2  }
0x40: {  	s0 =	rddreg [dreg:$0x0];
	s2 =	stileid.u32  }
0x41: {  	s1 =	rddreg [dreg:$0x1];
	p0 =	sne.s32 s2, $0x0  }
0x42: {  	s3 =	rddreg [dreg:$0x2];
	[bflag:$0x3] =	sbarrier.arrive $0xFFFF;
	s2 =	simm.s32 @!p0 $0x1C02  }
0x43: {  	[timem:s3], [sflag:s2] =	dma.local @!p0 [hbm:s0], s1  }
0x44: {  	s0 =	simm.s32 @!p0 $0x2  }
0x45: {  	_ =	swait.ge @!p0 [sflag:s0], s1  }
0x46: {  	s1 =	ssub.s32 @!p0 $0x0, s1;
	[sflag:s0] =	ssyncset.done @!p0 $0x0  }
0x47: {  	[sflag:s0] =	ssyncadd.s32 @!p0 s1  }
0x48: {  	[bflag:$0x3] =	sbarrier.arrive $0xFFFF  }
0x49: {  	_ =	shalt  }

// kernel: kernel.13.cloned.1.call-start
scs
__scs_entry_jumppad:
0x0: {  	(pc) =	sbr.rel $0x88, $3  }
0x1: {  	(tag) =	ssettag $0x0;
	lr =	simm.s32 $0x1  }
0x2: {  	[smem:$0x3F99] =	sst lr;
	_ =	strace $0xD0000000  }
0x3: {  	_ = 	snop  }
0x4: {  	_ = 	snop  }
0x5: {  	_ = 	snop  }
0x6: {  	_ = 	snop  }
0x7: {  	_ = 	snop  }
__scs_overlays_trampoline_lowered:
0x8: {  	[smem:$0x3FA8] =	sst s0  }
0x9: {  	[smem:$0x3FA9] =	sst s1  }
0xa: {  	[smem:$0x3FAA] =	sst s2  }
0xb: {  	[smem:$0x3FAB] =	sst s3  }
0xc: {  	[smem:$0x3FAC] =	sst s4  }
0xd: {  	[smem:$0x3FAD] =	sst s5  }
0xe: {  	[smem:$0x3FAE] =	sst s6  }
0xf: {  	[smem:$0x3FAF] =	sst s7  }
0x10: {  	[smem:$0x3FB0] =	sst s8  }
0x11: {  	[smem:$0x3FB1] =	sst s9;
	s0 =	simm.s32 @!p0 $0x0  }
0x12: {  	s1 =	sld [smem:$0x3F97];
	s0 =	simm.s32 @p0 $0x1  }
0x13: {  	[smem:$0x3FB2] =	sst s0;
	s0 =	simm.s32 @!p1 $0x0  }
0x14: {  	s2 =	sld [smem:$0x3F96];
	s0 =	simm.s32 @p1 $0x1  }
0x15: {  	[smem:$0x3FB3] =	sst s0;
	s0 =	simm.s32 @!p2 $0x0  }
0x16: {  	s3 =	sld [smem:$0x3FDB];
	s0 =	simm.s32 @p2 $0x1  }
0x17: {  	s4 =	simm.s32 $0x1BF5;
	[smem:$0x3FB5] =	sst s0  }
0x18: {  	s0 =	sld [smem:$0x3F98];
	_ =	swait.ge [sflag:s4], $0x0  }
0x19: {  	s7 =	sld [smem:$0x3F99]  }
0x1a: {  	s8 =	sadd.s32 $0xFFFFE003, lr  }
0x1b: {  	s9 =	sadd.s32 $0xFFFFFEF7, lr;
	s5 =	simm.s32 $0xFFFFFFFF;
	p2 =	slt.u32 s8, $0xFFFFF086  }
0x1c: {  	p1 =	slt.u32 s9, $0xF7A;
	s5 =	simm.s32 @!p2 $0x0  }
0x1d: {  	s5 =	simm.s32 @p1 $0x1;
	p0 =	seq.s32 s7, s2  }
0x1e: {  	s7 =	smul.u32 @!p0 $0xF7A, s2;
	p2 =	seq.s32 @!p0 s5, $0x0  }
0x1f: {  	s9 =	smul.u32 $0xF7A, s1;
	s8 =	simm.s32 @!p0 $0x1BF5;
	p2 =	por !p2, p0  }
0x20: {  	[sflag:s8] =	ssyncset.s32 @!p0 $0xFFFFF086;
	s6 =	sadd.s32 @!p0 s3, s7;
	s7 =	simm.s32 @!p0 $0x108  }
0x21: {  	s3 =	sadd.s32 s3, s9;
	s6 =	sadd.s32 @!p0 $0x88, s6;
	s7 =	simm.s32 @p2 $0x1082  }
0x22: {  	[simem:s7], [sflag:s8] =	dma.local @!p0 [hbm:s6], $0xF7A  }
0x23: {  	s9 =	sor.u32 $0xD0000000, s2;
	s6 =	simm.s32 $0x108;
	_ =	swait.ge @!p0 [sflag:s8], $0x0  }
0x24: {  	s3 =	sadd.s32 $0x88, s3;
	s6 =	simm.s32 @!p1 $0x1082;
	[sflag:s4] =	ssyncset.s32 $0xFFFFF086  }
0x25: {  	[simem:s6], [sflag:s4] =	dma.local [hbm:s3], $0xF7A  }
0x26: {  	[smem:$0x3F99] =	sst s1;
	(tag) =	ssettag s2;
	_ =	strace s9  }
0x27: {  	s1 =	sld [smem:$0x3FA9]  }
0x28: {  	s2 =	sld [smem:$0x3FAA]  }
0x29: {  	s4 =	sld [smem:$0x3FAC]  }
0x2a: {  	p0 =	seq.s32 s5, $0x0;
	s5 =	sld [smem:$0x3FAD]  }
0x2b: {  	s6 =	sld [smem:$0x3FAE]  }
0x2c: {  	s7 =	sld [smem:$0x3FAF]  }
0x2d: {  	s3 =	simm.s32 $0x108;
	s8 =	sld [smem:$0x3FB0]  }
0x2e: {  	s3 =	simm.s32 @!p0 $0x1082;
	s9 =	sld [smem:$0x3FB1]  }
0x2f: {  	lr =	sadd.s32 s0, s3;
	s0 =	sld [smem:$0x3FA8]  }
0x30: {  	s3 =	sld [smem:$0x3FAB]  }
0x31: {  	[smem:$0x3FB4] =	sst s10  }
0x32: {  	s10 =	sld [smem:$0x3FB2];
	_ =	sdelay $0x3  }
0x33: {  	p0 =	seq.s32 s10, $0x1;
	s10 =	sld [smem:$0x3FB4];
	_ =	sdelay $0x3  }
0x34: {  	[smem:$0x3FB4] =	sst s10  }
0x35: {  	s10 =	sld [smem:$0x3FB3];
	_ =	sdelay $0x3  }
0x36: {  	p1 =	seq.s32 s10, $0x1;
	s10 =	sld [smem:$0x3FB4];
	_ =	sdelay $0x3  }
0x37: {  	[smem:$0x3FB4] =	sst s10  }
0x38: {  	s10 =	sld [smem:$0x3FB5]  }
0x39: {  	_ = 	snop;
	(pc) =	sbr.ind lr, $3  }
0x3a: {  	_ = 	snop  }
0x3b: {  	_ = 	snop  }
0x3c: {  	p2 =	seq.s32 s10, $0x1;
	s10 =	sld [smem:$0x3FB4]  }
0x3d: {  	_ =	shalt  }
0x3e: {  	_ =	shalt  }
0x3f: {  	_ =	shalt  }
0x40: {  	_ =	shalt  }
0x41: {  	_ =	shalt  }
0x42: {  	_ =	shalt  }
0x43: {  	_ =	shalt  }
0x44: {  	_ =	shalt  }
0x45: {  	_ =	shalt  }
0x46: {  	_ =	shalt  }
0x47: {  	_ =	shalt  }
0x48: {  	_ =	shalt  }
0x49: {  	_ =	shalt  }
0x4a: {  	_ =	shalt  }
0x4b: {  	_ =	shalt  }
0x4c: {  	_ =	shalt  }
0x4d: {  	_ =	shalt  }
0x4e: {  	_ =	shalt  }
0x4f: {  	_ =	shalt  }
0x50: {  	_ =	shalt  }
0x51: {  	_ =	shalt  }
0x52: {  	_ =	shalt  }
0x53: {  	_ =	shalt  }
0x54: {  	_ =	shalt  }
0x55: {  	_ =	shalt  }
0x56: {  	_ =	shalt  }
0x57: {  	_ =	shalt  }
0x58: {  	_ =	shalt  }
0x59: {  	_ =	shalt  }
0x5a: {  	_ =	shalt  }
0x5b: {  	_ =	shalt  }
0x5c: {  	_ =	shalt  }
0x5d: {  	_ =	shalt  }
0x5e: {  	_ =	shalt  }
0x5f: {  	_ =	shalt  }
0x60: {  	_ =	shalt  }
0x61: {  	_ =	shalt  }
0x62: {  	_ =	shalt  }
0x63: {  	_ =	shalt  }
0x64: {  	_ =	shalt  }
0x65: {  	_ =	shalt  }
0x66: {  	_ =	shalt  }
0x67: {  	_ =	shalt  }
0x68: {  	_ =	shalt  }
0x69: {  	_ =	shalt  }
0x6a: {  	_ =	shalt  }
0x6b: {  	_ =	shalt  }
0x6c: {  	_ =	shalt  }
0x6d: {  	_ =	shalt  }
0x6e: {  	_ =	shalt  }
0x6f: {  	_ =	shalt  }
0x70: {  	_ =	shalt  }
0x71: {  	_ =	shalt  }
0x72: {  	_ =	shalt  }
0x73: {  	_ =	shalt  }
0x74: {  	_ =	shalt  }
0x75: {  	_ =	shalt  }
0x76: {  	_ =	shalt  }
0x77: {  	_ =	shalt  }
0x78: {  	_ =	shalt  }
0x79: {  	_ =	shalt  }
0x7a: {  	_ =	shalt  }
0x7b: {  	_ =	shalt  }
0x7c: {  	_ =	shalt  }
0x7d: {  	_ =	shalt  }
0x7e: {  	_ =	shalt  }
0x7f: {  	_ =	shalt  }
0x80: {  	_ =	shalt  }
0x81: {  	_ =	shalt  }
0x82: {  	_ =	shalt  }
0x83: {  	_ =	shalt  }
0x84: {  	_ =	shalt  }
0x85: {  	_ =	shalt  }
0x86: {  	_ =	shalt  }
0x87: {  	_ =	shalt  }
.Lfunc_end0:
.L_simem_size_0:
called_computation.1_lowered:
.L_overlay_start_0:
0x88: {  	s2 =	sld [smem:$0x3FD9]  }
0x89: {  	s3 =	sld [smem:$0x3FFE];
	_ =	sdelay $0x1  }
0x8a: {  	s1 =	srdreg.scid  }
0x8b: {  	s0 =	sand.u32 $0x1, s1  }
0x8c: {  	s16 =	sshll.u32 s0, $0xA;
	s2 =	sadd.s32 s3, s2  }
0x8d: {  	s2 =	sadd.s32 s2, s16  }
0x8e: {  	[smem:$0x3FC0] =	sst s2  }
0x8f: {  	_ = 	snop  }
0x90: {  	(tm) =	ssettm $0x1  }
0x91: {  	s17 =	sld [smem:$0x3FFB];
	_ =	sdelay $0x3  }
0x92: {  	_ =	strace s17  }
0x93: {  	s2 =	sld [smem:$0x3FFC];
	_ =	sdelay $0x3  }
0x94: {  	_ =	strace s2  }
0x95: {  	s2 =	sld [smem:$0x3FFD];
	_ =	sdelay $0x3  }
0x96: {  	_ =	strace s2  }
0x97: {  	_ =	strace $0x8FFFFFFF  }
0x98: {  	s18 =	sld [smem:$0x3FDB];
	_ =	sdelay $0x1  }
0x99: {  	s19 =	simm.s32 $_scs_section_size  }
0x9a: {  	s4 =	simm.s32 $_size__tile_overlayer_lowered;
	s5 =	simm.s32 $_tile_overlayer_lowered  }
0x9b: {  	s22 =	simm.s32 $0x1BFF;
	s21 =	sshll.u32 s5, $0x1;
	s2 =	sadd.s32 s19, s18  }
0x9c: {  	s6 =	simm.s32 $0x0;
	s20 =	sshll.u32 s4, $0x1;
	s4 =	sadd.s32 s21, s2  }
0x9d: {  	[timem:s6], [sflag:s22] =	dma.local [hbm:s4], s20  }
0x9e: {  	_ =	swait.ge [sflag:s22], s20  }
0x9f: {  	s3 =	ssub.s32 $0x0, s20;
	[sflag:s22] =	ssyncset.done $0x0  }
0xa0: {  	[sflag:s22] =	ssyncadd.s32 s3;
	_ =	sdelay $0x1  }
0xa1: {  	s23 =	simm.s32 $0x1B8B  }
0xa2: {  	_ =	swait.ge [sflag:s23], $0x1  }
0xa3: {  	[sflag:s23] =	ssyncset.done $0x0  }
0xa4: {  	s25 =	simm.s32 $0x1B8E;
	s24 =	sld [smem:$0x3FFE];
	[sflag:s23] =	ssyncadd.s32 $0xFFFFFFFF  }
0xa5: {  	s26 =	simm.s32 $execute0_lowered;
	[smem:$0x3FD2] =	sst s25  }
0xa6: {  	s4 =	sshll.u32 s26, $0x1;
	_ =	strace $0x80000049;
	[dreg:$0x1] =	wrdreg $0xFFFFFFFF  }
0xa7: {  	s28 =	simm.s32 $_size_execute0_lowered;
	s2 =	sadd.s32 s2, s4;
	[dreg:$0x0] =	wrdreg $0x0  }
0xa8: {  	s4 =	sshll.u32 s28, $0x1;
	[dreg:$0x2] =	wrdreg s2  }
0xa9: {  	[dreg:$0x3] =	wrdreg s4  }
0xaa: {  	[dreg:$0x4] =	wrdreg $0xC0  }
0xab: {  	_ =	task [dreg:s6], $0x5FFFF  }
0xac: {  	[dreg:$0x1] =	wrdreg $0xFFFFFFFF  }
0xad: {  	[dreg:$0x0] =	wrdreg $0x60  }
0xae: {  	[dreg:$0x2] =	wrdreg s24  }
0xaf: {  	[dreg:$0x3] =	wrdreg $0x76200  }
0xb0: {  	[dreg:$0x4] =	wrdreg $0x9  }
0xb1: {  	_ =	task.clear_ibuf [dreg:s6], $0x5FFFF;
	_ =	strace $0x90000049  }
0xb2: {  	s29 =	simm.s32 $0x9;
	_ =	strace $0x8000004B  }
0xb3: {  	_ =	swait.ge [sflag:s29], $0x1  }
0xb4: {  	[sflag:s29] =	ssyncadd.s32 $0xFFFFFFFF  }
0xb5: {  	_ =	strace $0x9000004B  }
0xb6: {  	_ =	sfence  }
0xb7: {  	s30 =	sld [smem:$0x0];
	_ =	sdelay $0x2  }
0xb8: {  	s31 =	sshll.u32 s1, $0xD;
	s1 =	sshrl.u32 s1, $0x2  }
0xb9: {  	s3 =	sand.u32 $0x4000, s31;
	s1 =	sadd.s32 s1, s30  }
0xba: {  	s0 =	sor.u32 s3, s0;
	s1 =	sshll.u32 s1, $0x11  }
0xbb: {  	s0 =	sor.u32 s1, s0  }
0xbc: {  	s0 =	sadd.s32 $0x8F2B, s0  }
0xbd: {  	[sflag:s0] =	ssyncadd.remote.s32 $0x1  }
0xbe: {  	_ =	sfence.sel $0xFFFF  }
0xbf: {  	[dreg:$0x0] =	wrdreg $0xFFFFFFFF;
	(pc) =	sbr.abs _section_cstart, $3  }
0xc0: {  	[dreg:$0x1] =	wrdreg $0xFFFFFFFF  }
0xc1: {  	_ =	task.clear_ibuf [dreg:s6], $0x2FFFF;
	_ =	strace $0x9FFFFFFF  }
0xc2: {  	(tm) =	ssettm $0x7FFFFFFF  }
0xc3: {  	_ =	shalt  }
tec
execute0_lowered:
.L_overlay_start_1:
0x0: {  	(tag) =	ssettag $0x1  }
0x1: {  	s1 =	srdreg.scid  }
0x2: {  	s0 =	stileid.u32;
	s6 =	rddreg [dreg:$0x0]  }
0x3: {  	s2 =	rddreg [dreg:$0x1];
	s3 =	simm.s32 $0x0;
	s14 =	simm.s32 $0x50  }
0x4: {  	s15 =	simm.s32 $0x4E20;
	s16 =	simm.s32 $0x1;
	s17 =	simm.s32 $0x0  }
0x5: {  	s5 =	sand.u32 $0x1, s1;
	s28 =	sshll.u32 s0, $0x1;
	s8 =	smul.u32 $0x13880, s0  }
0x6: {  	[smem:$0x7FF] =	sst s3;
	s4 =	sadd.s32 $0x1B000, s6;
	s31 =	sshll.u32 s0, $0x6  }
0x7: {  	s1 =	sor.u32 s5, s28;
	s9 =	smul.u32 $0x138800, s5;
	s5 =	ssub.s32 $0x2, s5  }
0x8: {  	s7 =	smul.u32 $0x4E2, s1;
	s1 =	rddreg [dreg:$0x2];
	_ =	strace $0x8000004A  }
0x9: {  	s30 =	sshrl.u32 s8, $0x3;
	s11 =	sshrl.u32 s5, $0x1;
	s13 =	sadd.s32 s8, s2  }
0xa: {  	s29 =	sadd.s32 s8, s9;
	s9 =	sadd.s32 s30, s6;
	s11 =	ssub.s32 s5, s11  }
0xb: {  	s10 =	sadd.s32 s7, s6;
	s7 =	sshrl.u32 s29, $0x3;
	s5 =	sadd.s32 $0x42200, s9  }
0xc: {  	s12 =	sadd.s32 s7, s6;
	s6 =	sor.u32 $0x1C02, s31;
	s7 =	sadd.s32 $0xC200, s10  }
0xd: {  	s8 =	sadd.s32 $0x2400, s10;
	s10 =	smax.u32 s11, $0x1;
	s11 =	sshrl.u32 s13, $0x3  }
0xe: {  	s13 =	simm.s32 $0x2710;
	s9 =	sadd.s32 $0x69400, s12;
	s12 =	simm.s32 $0x2  }
.LBB2_1:
0xf: {  	[spmem:s11], [sflag:s6] =	dma.local [hbm:s5], $0x2710  }
0x10: {  	_ =	swait.ge [sflag:s12], $0x2710  }
0x11: {  	[sflag:s12] =	ssyncset.done $0x0  }
0x12: {  	[sflag:s12] =	ssyncadd.s32 $0xFFFFD8F0  }
0x13: {  	[tilespmem:s3], [sflag:$0x2] =	stream.linear.gather [hbm4b:s7+s3], $0x2710, $0x38;
	[tilespmem:$0x1AEA0] =	vst v63  }
0x14: {  	_ =	swait.ge [sflag:s12], $0x2710  }
0x15: {  	[sflag:s12] =	ssyncset.done $0x0  }
0x16: {  	[sflag:s12] =	ssyncadd.s32 $0xFFFFD8F0  }
0x17: {  	[tilespmem:s13], [sflag:$0x2] =	stream.linear.gather [hbm4b:s8+s3], $0x2710, $0x38;
	[tilespmem:$0x1AEA0] =	vst v63  }
0x18: {  	_ =	swait.ge [sflag:s12], $0x2710  }
0x19: {  	[sflag:s12] =	ssyncset.done $0x0  }
0x1a: {  	[sflag:s12] =	ssyncadd.s32 $0xFFFFD8F0  }
0x1b: {  	s18 =	simm.s32 $0x0;
	[bflag:$0x0] =	sbarrier.arrive $0xFFFF  }
0x1c: {  	[tilespmem:s15], [sflag:$0x1] =	stream.indirect.gather [hbm4b:s4+s14], $0x80, s18, s14, $0xb8;
	[tilespmem:$0x1AEA0] =	vst v63  }
0x1d: {  	_ =	swait.ge [sflag:s16], $0x2800  }
0x1e: {  	[sflag:s16] =	ssyncset.done $0x0  }
0x1f: {  	s31 =	simm.s32 $0x2710;
	[sflag:s16] =	ssyncadd.s32 $0xFFFFD800  }
0x20: {  	[spmem:s2] =	stream.indirect.scatter.add.f32 [tilespmem:s15], [sflag:$0x2], $0x80, s31, s14, $0xb8;
	[tilespmem:$0x1AEA0] =	vst v63  }
0x21: {  	_ =	swait.ge [sflag:s12], $0x2800  }
0x22: {  	s19 =	simm.s32 $0x280;
	s18 =	simm.s32 $0x140;
	[sflag:s12] =	ssyncset.done $0x0  }
.LBB2_2:
0x23: {  	s20 =	sshra.s32 s18, $0x2  }
0x24: {  	[sflag:s12] =	ssyncadd.s32 $0xFFFFD800;
	s18 =	smov.u32 s19;
	s21 =	sadd.s32 $0x140, s19  }
0x25: {  	[tilespmem:s15], [sflag:$0x1] =	stream.indirect.gather [hbm4b:s4+s14], $0x80, s20, s14, $0xb8;
	[tilespmem:$0x1AEA0] =	vst v63  }
0x26: {  	p0 =	sne.s32 s19, $0x9B00;
	_ =	swait.ge [sflag:s16], $0x2800  }
.Ltmp0:
0x27: {  	[sflag:s16] =	ssyncset.done $0x0;
	(pc) =	sbr.rel @p0 .LBB2_2-.Ltmp0, $4  }
0x28: {  	s19 =	sadd.s32 $0x2710, s20;
	[sflag:s16] =	ssyncadd.s32 $0xFFFFD800  }
0x29: {  	[spmem:s2] =	stream.indirect.scatter.add.f32 [tilespmem:s15], [sflag:$0x2], $0x80, s19, s14, $0xb8;
	[tilespmem:$0x1AEA0] =	vst v63  }
0x2a: {  	_ =	swait.ge [sflag:s12], $0x2800  }
0x2b: {  	s19 =	smov.u32 s21;
	[sflag:s12] =	ssyncset.done $0x0  }
0x2c: {  	s18 =	sshra.s32 s18, $0x2;
	[sflag:s12] =	ssyncadd.s32 $0xFFFFD800  }
0x2d: {  	[tilespmem:s15], [sflag:$0x1] =	stream.indirect.gather [hbm4b:s4+s14], $0x80, s18, s14, $0xb8;
	[tilespmem:$0x1AEA0] =	vst v63  }
0x2e: {  	_ =	swait.ge [sflag:s16], $0x2800  }
0x2f: {  	[sflag:s16] =	ssyncset.done $0x0  }
0x30: {  	s18 =	sadd.s32 $0x2710, s18;
	[sflag:s16] =	ssyncadd.s32 $0xFFFFD800  }
0x31: {  	[spmem:s2] =	stream.indirect.scatter.add.f32 [tilespmem:s15], [sflag:$0x2], $0x80, s18, s14, $0xb8;
	[tilespmem:$0x1AEA0] =	vst v63  }
0x32: {  	_ =	swait.ge [sflag:s12], $0x2800  }
0x33: {  	s17 =	sadd.s32 $0x1, s17;
	[sflag:s12] =	ssyncset.done $0x0  }
0x34: {  	p0 =	sne.s32 s17, s10;
	[sflag:s12] =	ssyncadd.s32 $0xFFFFD800  }
.Ltmp1:
0x35: {  	[bflag:$0x0] =	sbarrier.arrive $0xFFFF;
	(pc) =	sbr.rel @p0 .LBB2_1-.Ltmp1, $4  }
0x36: {  	[hbm:s9], [sflag:s6] =	dma.local [spmem:s11], $0x2710  }
0x37: {  	_ =	swait.ge [sflag:s12], $0x2710  }
0x38: {  	[sflag:s12] =	ssyncset.done $0x0  }
0x39: {  	[sflag:s12] =	ssyncadd.s32 $0xFFFFD8F0  }
0x3a: {  	_ =	sfence.sel $0x180000  }
0x3b: {  	[bflag:$0x0] =	sbarrier.arrive $0xFFFF  }
0x3c: {  	p0 =	sne.s32 s0, $0x0;
	_ =	strace $0x9000004A  }
0x3d: {  	s0 =	sadd.s32 @!p0 $0x100000, s1;
	[bflag:$0x2] =	sbarrier.arrive $0xFFFF  }
0x3e: {  	[sflag:s0] =	ssyncadd.tile.s32 @!p0 $0x1;
	_ =	shalt  }
.Lfunc_end2:
_tile_overlayer_lowered:
.L_overlay_start_2:
0x3f: {  	(tag) =	ssettag $0x2  }
0x40: {  	s0 =	rddreg [dreg:$0x0];
	s2 =	stileid.u32  }
0x41: {  	s1 =	rddreg [dreg:$0x1];
	p0 =	sne.s32 s2, $0x0  }
0x42: {  	s3 =	rddreg [dreg:$0x2];
	[bflag:$0x3] =	sbarrier.arrive $0xFFFF;
	s2 =	simm.s32 @!p0 $0x1C02  }
0x43: {  	[timem:s3], [sflag:s2] =	dma.local @!p0 [hbm:s0], s1  }
0x44: {  	s0 =	simm.s32 @!p0 $0x2  }
0x45: {  	_ =	swait.ge @!p0 [sflag:s0], s1  }
0x46: {  	s1 =	ssub.s32 @!p0 $0x0, s1;
	[sflag:s0] =	ssyncset.done @!p0 $0x0  }
0x47: {  	[sflag:s0] =	ssyncadd.s32 @!p0 s1  }
0x48: {  	[bflag:$0x3] =	sbarrier.arrive $0xFFFF  }
0x49: {  	_ =	shalt  }

// kernel: kernel.16.cloned.1.call-start
scs
__scs_entry_jumppad:
0x0: {  	(pc) =	sbr.rel $0x88, $3  }
0x1: {  	(tag) =	ssettag $0x0;
	lr =	simm.s32 $0x1  }
0x2: {  	[smem:$0x3F99] =	sst lr;
	_ =	strace $0xD0000000  }
0x3: {  	_ = 	snop  }
0x4: {  	_ = 	snop  }
0x5: {  	_ = 	snop  }
0x6: {  	_ = 	snop  }
0x7: {  	_ = 	snop  }
__scs_overlays_trampoline_lowered:
0x8: {  	[smem:$0x3FA8] =	sst s0  }
0x9: {  	[smem:$0x3FA9] =	sst s1  }
0xa: {  	[smem:$0x3FAA] =	sst s2  }
0xb: {  	[smem:$0x3FAB] =	sst s3  }
0xc: {  	[smem:$0x3FAC] =	sst s4  }
0xd: {  	[smem:$0x3FAD] =	sst s5  }
0xe: {  	[smem:$0x3FAE] =	sst s6  }
0xf: {  	[smem:$0x3FAF] =	sst s7  }
0x10: {  	[smem:$0x3FB0] =	sst s8  }
0x11: {  	[smem:$0x3FB1] =	sst s9;
	s0 =	simm.s32 @!p0 $0x0  }
0x12: {  	s1 =	sld [smem:$0x3F97];
	s0 =	simm.s32 @p0 $0x1  }
0x13: {  	[smem:$0x3FB2] =	sst s0;
	s0 =	simm.s32 @!p1 $0x0  }
0x14: {  	s2 =	sld [smem:$0x3F96];
	s0 =	simm.s32 @p1 $0x1  }
0x15: {  	[smem:$0x3FB3] =	sst s0;
	s0 =	simm.s32 @!p2 $0x0  }
0x16: {  	s3 =	sld [smem:$0x3FDB];
	s0 =	simm.s32 @p2 $0x1  }
0x17: {  	s4 =	simm.s32 $0x1BF5;
	[smem:$0x3FB5] =	sst s0  }
0x18: {  	s0 =	sld [smem:$0x3F98];
	_ =	swait.ge [sflag:s4], $0x0  }
0x19: {  	s7 =	sld [smem:$0x3F99]  }
0x1a: {  	s8 =	sadd.s32 $0xFFFFE003, lr  }
0x1b: {  	s9 =	sadd.s32 $0xFFFFFEF7, lr;
	s5 =	simm.s32 $0xFFFFFFFF;
	p2 =	slt.u32 s8, $0xFFFFF086  }
0x1c: {  	p1 =	slt.u32 s9, $0xF7A;
	s5 =	simm.s32 @!p2 $0x0  }
0x1d: {  	s5 =	simm.s32 @p1 $0x1;
	p0 =	seq.s32 s7, s2  }
0x1e: {  	s7 =	smul.u32 @!p0 $0xF7A, s2;
	p2 =	seq.s32 @!p0 s5, $0x0  }
0x1f: {  	s9 =	smul.u32 $0xF7A, s1;
	s8 =	simm.s32 @!p0 $0x1BF5;
	p2 =	por !p2, p0  }
0x20: {  	[sflag:s8] =	ssyncset.s32 @!p0 $0xFFFFF086;
	s6 =	sadd.s32 @!p0 s3, s7;
	s7 =	simm.s32 @!p0 $0x108  }
0x21: {  	s3 =	sadd.s32 s3, s9;
	s6 =	sadd.s32 @!p0 $0x88, s6;
	s7 =	simm.s32 @p2 $0x1082  }
0x22: {  	[simem:s7], [sflag:s8] =	dma.local @!p0 [hbm:s6], $0xF7A  }
0x23: {  	s9 =	sor.u32 $0xD0000000, s2;
	s6 =	simm.s32 $0x108;
	_ =	swait.ge @!p0 [sflag:s8], $0x0  }
0x24: {  	s3 =	sadd.s32 $0x88, s3;
	s6 =	simm.s32 @!p1 $0x1082;
	[sflag:s4] =	ssyncset.s32 $0xFFFFF086  }
0x25: {  	[simem:s6], [sflag:s4] =	dma.local [hbm:s3], $0xF7A  }
0x26: {  	[smem:$0x3F99] =	sst s1;
	(tag) =	ssettag s2;
	_ =	strace s9  }
0x27: {  	s1 =	sld [smem:$0x3FA9]  }
0x28: {  	s2 =	sld [smem:$0x3FAA]  }
0x29: {  	s4 =	sld [smem:$0x3FAC]  }
0x2a: {  	p0 =	seq.s32 s5, $0x0;
	s5 =	sld [smem:$0x3FAD]  }
0x2b: {  	s6 =	sld [smem:$0x3FAE]  }
0x2c: {  	s7 =	sld [smem:$0x3FAF]  }
0x2d: {  	s3 =	simm.s32 $0x108;
	s8 =	sld [smem:$0x3FB0]  }
0x2e: {  	s3 =	simm.s32 @!p0 $0x1082;
	s9 =	sld [smem:$0x3FB1]  }
0x2f: {  	lr =	sadd.s32 s0, s3;
	s0 =	sld [smem:$0x3FA8]  }
0x30: {  	s3 =	sld [smem:$0x3FAB]  }
0x31: {  	[smem:$0x3FB4] =	sst s10  }
0x32: {  	s10 =	sld [smem:$0x3FB2];
	_ =	sdelay $0x3  }
0x33: {  	p0 =	seq.s32 s10, $0x1;
	s10 =	sld [smem:$0x3FB4];
	_ =	sdelay $0x3  }
0x34: {  	[smem:$0x3FB4] =	sst s10  }
0x35: {  	s10 =	sld [smem:$0x3FB3];
	_ =	sdelay $0x3  }
0x36: {  	p1 =	seq.s32 s10, $0x1;
	s10 =	sld [smem:$0x3FB4];
	_ =	sdelay $0x3  }
0x37: {  	[smem:$0x3FB4] =	sst s10  }
0x38: {  	s10 =	sld [smem:$0x3FB5]  }
0x39: {  	_ = 	snop;
	(pc) =	sbr.ind lr, $3  }
0x3a: {  	_ = 	snop  }
0x3b: {  	_ = 	snop  }
0x3c: {  	p2 =	seq.s32 s10, $0x1;
	s10 =	sld [smem:$0x3FB4]  }
0x3d: {  	_ =	shalt  }
0x3e: {  	_ =	shalt  }
0x3f: {  	_ =	shalt  }
0x40: {  	_ =	shalt  }
0x41: {  	_ =	shalt  }
0x42: {  	_ =	shalt  }
0x43: {  	_ =	shalt  }
0x44: {  	_ =	shalt  }
0x45: {  	_ =	shalt  }
0x46: {  	_ =	shalt  }
0x47: {  	_ =	shalt  }
0x48: {  	_ =	shalt  }
0x49: {  	_ =	shalt  }
0x4a: {  	_ =	shalt  }
0x4b: {  	_ =	shalt  }
0x4c: {  	_ =	shalt  }
0x4d: {  	_ =	shalt  }
0x4e: {  	_ =	shalt  }
0x4f: {  	_ =	shalt  }
0x50: {  	_ =	shalt  }
0x51: {  	_ =	shalt  }
0x52: {  	_ =	shalt  }
0x53: {  	_ =	shalt  }
0x54: {  	_ =	shalt  }
0x55: {  	_ =	shalt  }
0x56: {  	_ =	shalt  }
0x57: {  	_ =	shalt  }
0x58: {  	_ =	shalt  }
0x59: {  	_ =	shalt  }
0x5a: {  	_ =	shalt  }
0x5b: {  	_ =	shalt  }
0x5c: {  	_ =	shalt  }
0x5d: {  	_ =	shalt  }
0x5e: {  	_ =	shalt  }
0x5f: {  	_ =	shalt  }
0x60: {  	_ =	shalt  }
0x61: {  	_ =	shalt  }
0x62: {  	_ =	shalt  }
0x63: {  	_ =	shalt  }
0x64: {  	_ =	shalt  }
0x65: {  	_ =	shalt  }
0x66: {  	_ =	shalt  }
0x67: {  	_ =	shalt  }
0x68: {  	_ =	shalt  }
0x69: {  	_ =	shalt  }
0x6a: {  	_ =	shalt  }
0x6b: {  	_ =	shalt  }
0x6c: {  	_ =	shalt  }
0x6d: {  	_ =	shalt  }
0x6e: {  	_ =	shalt  }
0x6f: {  	_ =	shalt  }
0x70: {  	_ =	shalt  }
0x71: {  	_ =	shalt  }
0x72: {  	_ =	shalt  }
0x73: {  	_ =	shalt  }
0x74: {  	_ =	shalt  }
0x75: {  	_ =	shalt  }
0x76: {  	_ =	shalt  }
0x77: {  	_ =	shalt  }
0x78: {  	_ =	shalt  }
0x79: {  	_ =	shalt  }
0x7a: {  	_ =	shalt  }
0x7b: {  	_ =	shalt  }
0x7c: {  	_ =	shalt  }
0x7d: {  	_ =	shalt  }
0x7e: {  	_ =	shalt  }
0x7f: {  	_ =	shalt  }
0x80: {  	_ =	shalt  }
0x81: {  	_ =	shalt  }
0x82: {  	_ =	shalt  }
0x83: {  	_ =	shalt  }
0x84: {  	_ =	shalt  }
0x85: {  	_ =	shalt  }
0x86: {  	_ =	shalt  }
0x87: {  	_ =	shalt  }
.Lfunc_end0:
.L_simem_size_0:
called_computation.2_lowered:
.L_overlay_start_0:
0x88: {  	s2 =	sld [smem:$0x3FD9]  }
0x89: {  	s3 =	sld [smem:$0x3FFE];
	_ =	sdelay $0x1  }
0x8a: {  	s1 =	srdreg.scid  }
0x8b: {  	s0 =	sand.u32 $0x1, s1  }
0x8c: {  	s16 =	sshll.u32 s0, $0xA;
	s2 =	sadd.s32 s3, s2  }
0x8d: {  	s2 =	sadd.s32 s2, s16  }
0x8e: {  	[smem:$0x3FC0] =	sst s2  }
0x8f: {  	_ = 	snop  }
0x90: {  	(tm) =	ssettm $0x1  }
0x91: {  	s17 =	sld [smem:$0x3FFB];
	_ =	sdelay $0x3  }
0x92: {  	_ =	strace s17  }
0x93: {  	s2 =	sld [smem:$0x3FFC];
	_ =	sdelay $0x3  }
0x94: {  	_ =	strace s2  }
0x95: {  	s2 =	sld [smem:$0x3FFD];
	_ =	sdelay $0x3  }
0x96: {  	_ =	strace s2  }
0x97: {  	_ =	strace $0x8FFFFFFF  }
0x98: {  	s18 =	sld [smem:$0x3FDB];
	_ =	sdelay $0x1  }
0x99: {  	s19 =	simm.s32 $_scs_section_size  }
0x9a: {  	s4 =	simm.s32 $_size__tile_overlayer_lowered;
	s5 =	simm.s32 $_tile_overlayer_lowered  }
0x9b: {  	s22 =	simm.s32 $0x1BFF;
	s21 =	sshll.u32 s5, $0x1;
	s2 =	sadd.s32 s19, s18  }
0x9c: {  	s6 =	simm.s32 $0x0;
	s20 =	sshll.u32 s4, $0x1;
	s4 =	sadd.s32 s21, s2  }
0x9d: {  	[timem:s6], [sflag:s22] =	dma.local [hbm:s4], s20  }
0x9e: {  	_ =	swait.ge [sflag:s22], s20  }
0x9f: {  	s3 =	ssub.s32 $0x0, s20;
	[sflag:s22] =	ssyncset.done $0x0  }
0xa0: {  	[sflag:s22] =	ssyncadd.s32 s3;
	_ =	sdelay $0x1  }
0xa1: {  	s23 =	simm.s32 $0x1B8B  }
0xa2: {  	_ =	swait.ge [sflag:s23], $0x1  }
0xa3: {  	[sflag:s23] =	ssyncset.done $0x0  }
0xa4: {  	s25 =	simm.s32 $0x1B8E;
	s24 =	sld [smem:$0x3FFE];
	[sflag:s23] =	ssyncadd.s32 $0xFFFFFFFF  }
0xa5: {  	s26 =	simm.s32 $execute0_lowered;
	[smem:$0x3FD2] =	sst s25  }
0xa6: {  	s4 =	sshll.u32 s26, $0x1;
	_ =	strace $0x8000004C;
	[dreg:$0x1] =	wrdreg $0xFFFFFFFF  }
0xa7: {  	s28 =	simm.s32 $_size_execute0_lowered;
	s2 =	sadd.s32 s2, s4;
	[dreg:$0x0] =	wrdreg $0x0  }
0xa8: {  	s4 =	sshll.u32 s28, $0x1;
	[dreg:$0x2] =	wrdreg s2  }
0xa9: {  	[dreg:$0x3] =	wrdreg s4  }
0xaa: {  	[dreg:$0x4] =	wrdreg $0xC0  }
0xab: {  	_ =	task [dreg:s6], $0x5FFFF  }
0xac: {  	[dreg:$0x1] =	wrdreg $0xFFFFFFFF  }
0xad: {  	[dreg:$0x0] =	wrdreg $0x60  }
0xae: {  	[dreg:$0x2] =	wrdreg s24  }
0xaf: {  	[dreg:$0x3] =	wrdreg $0x76200  }
0xb0: {  	[dreg:$0x4] =	wrdreg $0x9  }
0xb1: {  	_ =	task.clear_ibuf [dreg:s6], $0x5FFFF;
	_ =	strace $0x9000004C  }
0xb2: {  	s29 =	simm.s32 $0x9;
	_ =	strace $0x8000004E  }
0xb3: {  	_ =	swait.ge [sflag:s29], $0x1  }
0xb4: {  	[sflag:s29] =	ssyncadd.s32 $0xFFFFFFFF  }
0xb5: {  	_ =	strace $0x9000004E  }
0xb6: {  	_ =	sfence  }
0xb7: {  	s30 =	sld [smem:$0x0];
	_ =	sdelay $0x2  }
0xb8: {  	s31 =	sshll.u32 s1, $0xD;
	s1 =	sshrl.u32 s1, $0x2  }
0xb9: {  	s3 =	sand.u32 $0x4000, s31;
	s1 =	sadd.s32 s1, s30  }
0xba: {  	s0 =	sor.u32 s3, s0;
	s1 =	sshll.u32 s1, $0x11  }
0xbb: {  	s0 =	sor.u32 s1, s0  }
0xbc: {  	s0 =	sadd.s32 $0x8F2B, s0  }
0xbd: {  	[sflag:s0] =	ssyncadd.remote.s32 $0x1  }
0xbe: {  	_ =	sfence.sel $0xFFFF  }
0xbf: {  	[dreg:$0x0] =	wrdreg $0xFFFFFFFF;
	(pc) =	sbr.abs _section_cstart, $3  }
0xc0: {  	[dreg:$0x1] =	wrdreg $0xFFFFFFFF  }
0xc1: {  	_ =	task.clear_ibuf [dreg:s6], $0x2FFFF;
	_ =	strace $0x9FFFFFFF  }
0xc2: {  	(tm) =	ssettm $0x7FFFFFFF  }
0xc3: {  	_ =	shalt  }
tec
execute0_lowered:
.L_overlay_start_1:
0x0: {  	(tag) =	ssettag $0x1  }
0x1: {  	s1 =	srdreg.scid  }
0x2: {  	s0 =	stileid.u32;
	s6 =	rddreg [dreg:$0x0]  }
0x3: {  	s2 =	rddreg [dreg:$0x1];
	s3 =	simm.s32 $0x0;
	s14 =	simm.s32 $0x50  }
0x4: {  	s15 =	simm.s32 $0x4E20;
	s16 =	simm.s32 $0x1;
	s17 =	simm.s32 $0x0  }
0x5: {  	s5 =	sand.u32 $0x1, s1;
	s28 =	sshll.u32 s0, $0x1;
	s8 =	smul.u32 $0x13880, s0  }
0x6: {  	[smem:$0x7FF] =	sst s3;
	s4 =	sadd.s32 $0x1B000, s6;
	s31 =	sshll.u32 s0, $0x6  }
0x7: {  	s1 =	sor.u32 s5, s28;
	s9 =	smul.u32 $0x138800, s5;
	s5 =	ssub.s32 $0x2, s5  }
0x8: {  	s7 =	smul.u32 $0x4E2, s1;
	s1 =	rddreg [dreg:$0x2];
	_ =	strace $0x8000004D  }
0x9: {  	s30 =	sshrl.u32 s8, $0x3;
	s11 =	sshrl.u32 s5, $0x1;
	s13 =	sadd.s32 s8, s2  }
0xa: {  	s29 =	sadd.s32 s8, s9;
	s9 =	sadd.s32 s30, s6;
	s11 =	ssub.s32 s5, s11  }
0xb: {  	s10 =	sadd.s32 s7, s6;
	s7 =	sshrl.u32 s29, $0x3;
	s5 =	sadd.s32 $0x42200, s9  }
0xc: {  	s12 =	sadd.s32 s7, s6;
	s6 =	sor.u32 $0x1C02, s31;
	s7 =	sadd.s32 $0xC200, s10  }
0xd: {  	s8 =	sadd.s32 $0x2400, s10;
	s10 =	smax.u32 s11, $0x1;
	s11 =	sshrl.u32 s13, $0x3  }
0xe: {  	s13 =	simm.s32 $0x2710;
	s9 =	sadd.s32 $0x69400, s12;
	s12 =	simm.s32 $0x2  }
.LBB2_1:
0xf: {  	[spmem:s11], [sflag:s6] =	dma.local [hbm:s5], $0x2710  }
0x10: {  	_ =	swait.ge [sflag:s12], $0x2710  }
0x11: {  	[sflag:s12] =	ssyncset.done $0x0  }
0x12: {  	[sflag:s12] =	ssyncadd.s32 $0xFFFFD8F0  }
0x13: {  	[tilespmem:s3], [sflag:$0x2] =	stream.linear.gather [hbm4b:s7+s3], $0x2710, $0x38;
	[tilespmem:$0x1AEA0] =	vst v63  }
0x14: {  	_ =	swait.ge [sflag:s12], $0x2710  }
0x15: {  	[sflag:s12] =	ssyncset.done $0x0  }
0x16: {  	[sflag:s12] =	ssyncadd.s32 $0xFFFFD8F0  }
0x17: {  	[tilespmem:s13], [sflag:$0x2] =	stream.linear.gather [hbm4b:s8+s3], $0x2710, $0x38;
	[tilespmem:$0x1AEA0] =	vst v63  }
0x18: {  	_ =	swait.ge [sflag:s12], $0x2710  }
0x19: {  	[sflag:s12] =	ssyncset.done $0x0  }
0x1a: {  	[sflag:s12] =	ssyncadd.s32 $0xFFFFD8F0  }
0x1b: {  	s18 =	simm.s32 $0x0;
	[bflag:$0x0] =	sbarrier.arrive $0xFFFF  }
0x1c: {  	[tilespmem:s15], [sflag:$0x1] =	stream.indirect.gather [hbm4b:s4+s14], $0x80, s18, s14, $0xb8;
	[tilespmem:$0x1AEA0] =	vst v63  }
0x1d: {  	_ =	swait.ge [sflag:s16], $0x2800  }
0x1e: {  	[sflag:s16] =	ssyncset.done $0x0  }
0x1f: {  	s31 =	simm.s32 $0x2710;
	[sflag:s16] =	ssyncadd.s32 $0xFFFFD800  }
0x20: {  	[spmem:s2] =	stream.indirect.scatter.add.f32 [tilespmem:s15], [sflag:$0x2], $0x80, s31, s14, $0xb8;
	[tilespmem:$0x1AEA0] =	vst v63  }
0x21: {  	_ =	swait.ge [sflag:s12], $0x2800  }
0x22: {  	s19 =	simm.s32 $0x280;
	s18 =	simm.s32 $0x140;
	[sflag:s12] =	ssyncset.done $0x0  }
.LBB2_2:
0x23: {  	s20 =	sshra.s32 s18, $0x2  }
0x24: {  	[sflag:s12] =	ssyncadd.s32 $0xFFFFD800;
	s18 =	smov.u32 s19;
	s21 =	sadd.s32 $0x140, s19  }
0x25: {  	[tilespmem:s15], [sflag:$0x1] =	stream.indirect.gather [hbm4b:s4+s14], $0x80, s20, s14, $0xb8;
	[tilespmem:$0x1AEA0] =	vst v63  }
0x26: {  	p0 =	sne.s32 s19, $0x9B00;
	_ =	swait.ge [sflag:s16], $0x2800  }
.Ltmp0:
0x27: {  	[sflag:s16] =	ssyncset.done $0x0;
	(pc) =	sbr.rel @p0 .LBB2_2-.Ltmp0, $4  }
0x28: {  	s19 =	sadd.s32 $0x2710, s20;
	[sflag:s16] =	ssyncadd.s32 $0xFFFFD800  }
0x29: {  	[spmem:s2] =	stream.indirect.scatter.add.f32 [tilespmem:s15], [sflag:$0x2], $0x80, s19, s14, $0xb8;
	[tilespmem:$0x1AEA0] =	vst v63  }
0x2a: {  	_ =	swait.ge [sflag:s12], $0x2800  }
0x2b: {  	s19 =	smov.u32 s21;
	[sflag:s12] =	ssyncset.done $0x0  }
0x2c: {  	s18 =	sshra.s32 s18, $0x2;
	[sflag:s12] =	ssyncadd.s32 $0xFFFFD800  }
0x2d: {  	[tilespmem:s15], [sflag:$0x1] =	stream.indirect.gather [hbm4b:s4+s14], $0x80, s18, s14, $0xb8;
	[tilespmem:$0x1AEA0] =	vst v63  }
0x2e: {  	_ =	swait.ge [sflag:s16], $0x2800  }
0x2f: {  	[sflag:s16] =	ssyncset.done $0x0  }
0x30: {  	s18 =	sadd.s32 $0x2710, s18;
	[sflag:s16] =	ssyncadd.s32 $0xFFFFD800  }
0x31: {  	[spmem:s2] =	stream.indirect.scatter.add.f32 [tilespmem:s15], [sflag:$0x2], $0x80, s18, s14, $0xb8;
	[tilespmem:$0x1AEA0] =	vst v63  }
0x32: {  	_ =	swait.ge [sflag:s12], $0x2800  }
0x33: {  	s17 =	sadd.s32 $0x1, s17;
	[sflag:s12] =	ssyncset.done $0x0  }
0x34: {  	p0 =	sne.s32 s17, s10;
	[sflag:s12] =	ssyncadd.s32 $0xFFFFD800  }
.Ltmp1:
0x35: {  	[bflag:$0x0] =	sbarrier.arrive $0xFFFF;
	(pc) =	sbr.rel @p0 .LBB2_1-.Ltmp1, $4  }
0x36: {  	[hbm:s9], [sflag:s6] =	dma.local [spmem:s11], $0x2710  }
0x37: {  	_ =	swait.ge [sflag:s12], $0x2710  }
0x38: {  	[sflag:s12] =	ssyncset.done $0x0  }
0x39: {  	[sflag:s12] =	ssyncadd.s32 $0xFFFFD8F0  }
0x3a: {  	_ =	sfence.sel $0x180000  }
0x3b: {  	[bflag:$0x0] =	sbarrier.arrive $0xFFFF  }
0x3c: {  	p0 =	sne.s32 s0, $0x0;
	_ =	strace $0x9000004D  }
0x3d: {  	s0 =	sadd.s32 @!p0 $0x100000, s1;
	[bflag:$0x2] =	sbarrier.arrive $0xFFFF  }
0x3e: {  	[sflag:s0] =	ssyncadd.tile.s32 @!p0 $0x1;
	_ =	shalt  }
.Lfunc_end2:
_tile_overlayer_lowered:
.L_overlay_start_2:
0x3f: {  	(tag) =	ssettag $0x2  }
0x40: {  	s0 =	rddreg [dreg:$0x0];
	s2 =	stileid.u32  }
0x41: {  	s1 =	rddreg [dreg:$0x1];
	p0 =	sne.s32 s2, $0x0  }
0x42: {  	s3 =	rddreg [dreg:$0x2];
	[bflag:$0x3] =	sbarrier.arrive $0xFFFF;
	s2 =	simm.s32 @!p0 $0x1C02  }
0x43: {  	[timem:s3], [sflag:s2] =	dma.local @!p0 [hbm:s0], s1  }
0x44: {  	s0 =	simm.s32 @!p0 $0x2  }
0x45: {  	_ =	swait.ge @!p0 [sflag:s0], s1  }
0x46: {  	s1 =	ssub.s32 @!p0 $0x0, s1;
	[sflag:s0] =	ssyncset.done @!p0 $0x0  }
0x47: {  	[sflag:s0] =	ssyncadd.s32 @!p0 s1  }
0x48: {  	[bflag:$0x3] =	sbarrier.arrive $0xFFFF  }
0x49: {  	_ =	shalt  }

// kernel: kernel.19.cloned.1.call-start
scs
__scs_entry_jumppad:
0x0: {  	(pc) =	sbr.rel $0x88, $3  }
0x1: {  	(tag) =	ssettag $0x0;
	lr =	simm.s32 $0x1  }
0x2: {  	[smem:$0x3F99] =	sst lr;
	_ =	strace $0xD0000000  }
0x3: {  	_ = 	snop  }
0x4: {  	_ = 	snop  }
0x5: {  	_ = 	snop  }
0x6: {  	_ = 	snop  }
0x7: {  	_ = 	snop  }
__scs_overlays_trampoline_lowered:
0x8: {  	[smem:$0x3FA8] =	sst s0  }
0x9: {  	[smem:$0x3FA9] =	sst s1  }
0xa: {  	[smem:$0x3FAA] =	sst s2  }
0xb: {  	[smem:$0x3FAB] =	sst s3  }
0xc: {  	[smem:$0x3FAC] =	sst s4  }
0xd: {  	[smem:$0x3FAD] =	sst s5  }
0xe: {  	[smem:$0x3FAE] =	sst s6  }
0xf: {  	[smem:$0x3FAF] =	sst s7  }
0x10: {  	[smem:$0x3FB0] =	sst s8  }
0x11: {  	[smem:$0x3FB1] =	sst s9;
	s0 =	simm.s32 @!p0 $0x0  }
0x12: {  	s1 =	sld [smem:$0x3F97];
	s0 =	simm.s32 @p0 $0x1  }
0x13: {  	[smem:$0x3FB2] =	sst s0;
	s0 =	simm.s32 @!p1 $0x0  }
0x14: {  	s2 =	sld [smem:$0x3F96];
	s0 =	simm.s32 @p1 $0x1  }
0x15: {  	[smem:$0x3FB3] =	sst s0;
	s0 =	simm.s32 @!p2 $0x0  }
0x16: {  	s3 =	sld [smem:$0x3FDB];
	s0 =	simm.s32 @p2 $0x1  }
0x17: {  	s4 =	simm.s32 $0x1BF5;
	[smem:$0x3FB5] =	sst s0  }
0x18: {  	s0 =	sld [smem:$0x3F98];
	_ =	swait.ge [sflag:s4], $0x0  }
0x19: {  	s7 =	sld [smem:$0x3F99]  }
0x1a: {  	s8 =	sadd.s32 $0xFFFFE003, lr  }
0x1b: {  	s9 =	sadd.s32 $0xFFFFFEF7, lr;
	s5 =	simm.s32 $0xFFFFFFFF;
	p2 =	slt.u32 s8, $0xFFFFF086  }
0x1c: {  	p1 =	slt.u32 s9, $0xF7A;
	s5 =	simm.s32 @!p2 $0x0  }
0x1d: {  	s5 =	simm.s32 @p1 $0x1;
	p0 =	seq.s32 s7, s2  }
0x1e: {  	s7 =	smul.u32 @!p0 $0xF7A, s2;
	p2 =	seq.s32 @!p0 s5, $0x0  }
0x1f: {  	s9 =	smul.u32 $0xF7A, s1;
	s8 =	simm.s32 @!p0 $0x1BF5;
	p2 =	por !p2, p0  }
0x20: {  	[sflag:s8] =	ssyncset.s32 @!p0 $0xFFFFF086;
	s6 =	sadd.s32 @!p0 s3, s7;
	s7 =	simm.s32 @!p0 $0x108  }
0x21: {  	s3 =	sadd.s32 s3, s9;
	s6 =	sadd.s32 @!p0 $0x88, s6;
	s7 =	simm.s32 @p2 $0x1082  }
0x22: {  	[simem:s7], [sflag:s8] =	dma.local @!p0 [hbm:s6], $0xF7A  }
0x23: {  	s9 =	sor.u32 $0xD0000000, s2;
	s6 =	simm.s32 $0x108;
	_ =	swait.ge @!p0 [sflag:s8], $0x0  }
0x24: {  	s3 =	sadd.s32 $0x88, s3;
	s6 =	simm.s32 @!p1 $0x1082;
	[sflag:s4] =	ssyncset.s32 $0xFFFFF086  }
0x25: {  	[simem:s6], [sflag:s4] =	dma.local [hbm:s3], $0xF7A  }
0x26: {  	[smem:$0x3F99] =	sst s1;
	(tag) =	ssettag s2;
	_ =	strace s9  }
0x27: {  	s1 =	sld [smem:$0x3FA9]  }
0x28: {  	s2 =	sld [smem:$0x3FAA]  }
0x29: {  	s4 =	sld [smem:$0x3FAC]  }
0x2a: {  	p0 =	seq.s32 s5, $0x0;
	s5 =	sld [smem:$0x3FAD]  }
0x2b: {  	s6 =	sld [smem:$0x3FAE]  }
0x2c: {  	s7 =	sld [smem:$0x3FAF]  }
0x2d: {  	s3 =	simm.s32 $0x108;
	s8 =	sld [smem:$0x3FB0]  }
0x2e: {  	s3 =	simm.s32 @!p0 $0x1082;
	s9 =	sld [smem:$0x3FB1]  }
0x2f: {  	lr =	sadd.s32 s0, s3;
	s0 =	sld [smem:$0x3FA8]  }
0x30: {  	s3 =	sld [smem:$0x3FAB]  }
0x31: {  	[smem:$0x3FB4] =	sst s10  }
0x32: {  	s10 =	sld [smem:$0x3FB2];
	_ =	sdelay $0x3  }
0x33: {  	p0 =	seq.s32 s10, $0x1;
	s10 =	sld [smem:$0x3FB4];
	_ =	sdelay $0x3  }
0x34: {  	[smem:$0x3FB4] =	sst s10  }
0x35: {  	s10 =	sld [smem:$0x3FB3];
	_ =	sdelay $0x3  }
0x36: {  	p1 =	seq.s32 s10, $0x1;
	s10 =	sld [smem:$0x3FB4];
	_ =	sdelay $0x3  }
0x37: {  	[smem:$0x3FB4] =	sst s10  }
0x38: {  	s10 =	sld [smem:$0x3FB5]  }
0x39: {  	_ = 	snop;
	(pc) =	sbr.ind lr, $3  }
0x3a: {  	_ = 	snop  }
0x3b: {  	_ = 	snop  }
0x3c: {  	p2 =	seq.s32 s10, $0x1;
	s10 =	sld [smem:$0x3FB4]  }
0x3d: {  	_ =	shalt  }
0x3e: {  	_ =	shalt  }
0x3f: {  	_ =	shalt  }
0x40: {  	_ =	shalt  }
0x41: {  	_ =	shalt  }
0x42: {  	_ =	shalt  }
0x43: {  	_ =	shalt  }
0x44: {  	_ =	shalt  }
0x45: {  	_ =	shalt  }
0x46: {  	_ =	shalt  }
0x47: {  	_ =	shalt  }
0x48: {  	_ =	shalt  }
0x49: {  	_ =	shalt  }
0x4a: {  	_ =	shalt  }
0x4b: {  	_ =	shalt  }
0x4c: {  	_ =	shalt  }
0x4d: {  	_ =	shalt  }
0x4e: {  	_ =	shalt  }
0x4f: {  	_ =	shalt  }
0x50: {  	_ =	shalt  }
0x51: {  	_ =	shalt  }
0x52: {  	_ =	shalt  }
0x53: {  	_ =	shalt  }
0x54: {  	_ =	shalt  }
0x55: {  	_ =	shalt  }
0x56: {  	_ =	shalt  }
0x57: {  	_ =	shalt  }
0x58: {  	_ =	shalt  }
0x59: {  	_ =	shalt  }
0x5a: {  	_ =	shalt  }
0x5b: {  	_ =	shalt  }
0x5c: {  	_ =	shalt  }
0x5d: {  	_ =	shalt  }
0x5e: {  	_ =	shalt  }
0x5f: {  	_ =	shalt  }
0x60: {  	_ =	shalt  }
0x61: {  	_ =	shalt  }
0x62: {  	_ =	shalt  }
0x63: {  	_ =	shalt  }
0x64: {  	_ =	shalt  }
0x65: {  	_ =	shalt  }
0x66: {  	_ =	shalt  }
0x67: {  	_ =	shalt  }
0x68: {  	_ =	shalt  }
0x69: {  	_ =	shalt  }
0x6a: {  	_ =	shalt  }
0x6b: {  	_ =	shalt  }
0x6c: {  	_ =	shalt  }
0x6d: {  	_ =	shalt  }
0x6e: {  	_ =	shalt  }
0x6f: {  	_ =	shalt  }
0x70: {  	_ =	shalt  }
0x71: {  	_ =	shalt  }
0x72: {  	_ =	shalt  }
0x73: {  	_ =	shalt  }
0x74: {  	_ =	shalt  }
0x75: {  	_ =	shalt  }
0x76: {  	_ =	shalt  }
0x77: {  	_ =	shalt  }
0x78: {  	_ =	shalt  }
0x79: {  	_ =	shalt  }
0x7a: {  	_ =	shalt  }
0x7b: {  	_ =	shalt  }
0x7c: {  	_ =	shalt  }
0x7d: {  	_ =	shalt  }
0x7e: {  	_ =	shalt  }
0x7f: {  	_ =	shalt  }
0x80: {  	_ =	shalt  }
0x81: {  	_ =	shalt  }
0x82: {  	_ =	shalt  }
0x83: {  	_ =	shalt  }
0x84: {  	_ =	shalt  }
0x85: {  	_ =	shalt  }
0x86: {  	_ =	shalt  }
0x87: {  	_ =	shalt  }
.Lfunc_end0:
.L_simem_size_0:
called_computation.3_lowered:
.L_overlay_start_0:
0x88: {  	s2 =	sld [smem:$0x3FD9]  }
0x89: {  	s3 =	sld [smem:$0x3FFE];
	_ =	sdelay $0x1  }
0x8a: {  	s1 =	srdreg.scid  }
0x8b: {  	s0 =	sand.u32 $0x1, s1  }
0x8c: {  	s16 =	sshll.u32 s0, $0xA;
	s2 =	sadd.s32 s3, s2  }
0x8d: {  	s2 =	sadd.s32 s2, s16  }
0x8e: {  	[smem:$0x3FC0] =	sst s2  }
0x8f: {  	_ = 	snop  }
0x90: {  	(tm) =	ssettm $0x1  }
0x91: {  	s17 =	sld [smem:$0x3FFB];
	_ =	sdelay $0x3  }
0x92: {  	_ =	strace s17  }
0x93: {  	s2 =	sld [smem:$0x3FFC];
	_ =	sdelay $0x3  }
0x94: {  	_ =	strace s2  }
0x95: {  	s2 =	sld [smem:$0x3FFD];
	_ =	sdelay $0x3  }
0x96: {  	_ =	strace s2  }
0x97: {  	_ =	strace $0x8FFFFFFF  }
0x98: {  	s18 =	sld [smem:$0x3FDB];
	_ =	sdelay $0x1  }
0x99: {  	s19 =	simm.s32 $_scs_section_size  }
0x9a: {  	s4 =	simm.s32 $_size__tile_overlayer_lowered;
	s5 =	simm.s32 $_tile_overlayer_lowered  }
0x9b: {  	s22 =	simm.s32 $0x1BFF;
	s21 =	sshll.u32 s5, $0x1;
	s2 =	sadd.s32 s19, s18  }
0x9c: {  	s6 =	simm.s32 $0x0;
	s20 =	sshll.u32 s4, $0x1;
	s4 =	sadd.s32 s21, s2  }
0x9d: {  	[timem:s6], [sflag:s22] =	dma.local [hbm:s4], s20  }
0x9e: {  	_ =	swait.ge [sflag:s22], s20  }
0x9f: {  	s3 =	ssub.s32 $0x0, s20;
	[sflag:s22] =	ssyncset.done $0x0  }
0xa0: {  	[sflag:s22] =	ssyncadd.s32 s3;
	_ =	sdelay $0x1  }
0xa1: {  	s23 =	simm.s32 $0x1B8B  }
0xa2: {  	_ =	swait.ge [sflag:s23], $0x1  }
0xa3: {  	[sflag:s23] =	ssyncset.done $0x0  }
0xa4: {  	s25 =	simm.s32 $0x1B8E;
	s24 =	sld [smem:$0x3FFE];
	[sflag:s23] =	ssyncadd.s32 $0xFFFFFFFF  }
0xa5: {  	s26 =	simm.s32 $execute0_lowered;
	[smem:$0x3FD2] =	sst s25  }
0xa6: {  	s4 =	sshll.u32 s26, $0x1;
	_ =	strace $0x8000004F;
	[dreg:$0x1] =	wrdreg $0xFFFFFFFF  }
0xa7: {  	s28 =	simm.s32 $_size_execute0_lowered;
	s2 =	sadd.s32 s2, s4;
	[dreg:$0x0] =	wrdreg $0x0  }
0xa8: {  	s4 =	sshll.u32 s28, $0x1;
	[dreg:$0x2] =	wrdreg s2  }
0xa9: {  	[dreg:$0x3] =	wrdreg s4  }
0xaa: {  	[dreg:$0x4] =	wrdreg $0xC0  }
0xab: {  	_ =	task [dreg:s6], $0x5FFFF  }
0xac: {  	[dreg:$0x1] =	wrdreg $0xFFFFFFFF  }
0xad: {  	[dreg:$0x0] =	wrdreg $0x60  }
0xae: {  	[dreg:$0x2] =	wrdreg s24  }
0xaf: {  	[dreg:$0x3] =	wrdreg $0x53200  }
0xb0: {  	[dreg:$0x4] =	wrdreg $0x9  }
0xb1: {  	_ =	task.clear_ibuf [dreg:s6], $0x5FFFF;
	_ =	strace $0x9000004F  }
0xb2: {  	s29 =	simm.s32 $0x9;
	_ =	strace $0x80000051  }
0xb3: {  	_ =	swait.ge [sflag:s29], $0x1  }
0xb4: {  	[sflag:s29] =	ssyncadd.s32 $0xFFFFFFFF  }
0xb5: {  	_ =	strace $0x90000051  }
0xb6: {  	_ =	sfence  }
0xb7: {  	s30 =	sld [smem:$0x0];
	_ =	sdelay $0x2  }
0xb8: {  	s31 =	sshll.u32 s1, $0xD;
	s1 =	sshrl.u32 s1, $0x2  }
0xb9: {  	s3 =	sand.u32 $0x4000, s31;
	s1 =	sadd.s32 s1, s30  }
0xba: {  	s0 =	sor.u32 s3, s0;
	s1 =	sshll.u32 s1, $0x11  }
0xbb: {  	s0 =	sor.u32 s1, s0  }
0xbc: {  	s0 =	sadd.s32 $0x8F2B, s0  }
0xbd: {  	[sflag:s0] =	ssyncadd.remote.s32 $0x1  }
0xbe: {  	_ =	sfence.sel $0xFFFF  }
0xbf: {  	[dreg:$0x0] =	wrdreg $0xFFFFFFFF;
	(pc) =	sbr.abs _section_cstart, $3  }
0xc0: {  	[dreg:$0x1] =	wrdreg $0xFFFFFFFF  }
0xc1: {  	_ =	task.clear_ibuf [dreg:s6], $0x2FFFF;
	_ =	strace $0x9FFFFFFF  }
0xc2: {  	(tm) =	ssettm $0x7FFFFFFF  }
0xc3: {  	_ =	shalt  }
tec
execute0_lowered:
.L_overlay_start_1:
0x0: {  	(tag) =	ssettag $0x1  }
0x1: {  	s1 =	srdreg.scid  }
0x2: {  	s0 =	stileid.u32;
	s6 =	rddreg [dreg:$0x0]  }
0x3: {  	s2 =	rddreg [dreg:$0x1];
	s3 =	simm.s32 $0x0;
	s14 =	simm.s32 $0x50  }
0x4: {  	s15 =	simm.s32 $0x4E20;
	s16 =	simm.s32 $0x1;
	s17 =	simm.s32 $0x0  }
0x5: {  	s5 =	sand.u32 $0x1, s1;
	s28 =	sshll.u32 s0, $0x1;
	s8 =	smul.u32 $0x2710, s0  }
0x6: {  	[smem:$0x7FF] =	sst s3;
	s4 =	sadd.s32 $0x1B000, s6;
	s31 =	sshll.u32 s0, $0x6  }
0x7: {  	s1 =	sor.u32 s5, s28;
	s9 =	smul.u32 $0x27100, s5;
	s5 =	ssub.s32 $0x2, s5  }
0x8: {  	s7 =	smul.u32 $0x4E2, s1;
	s1 =	rddreg [dreg:$0x2];
	_ =	strace $0x80000050  }
0x9: {  	s30 =	sshrl.u32 s8, $0x3;
	s11 =	sshrl.u32 s5, $0x1;
	s13 =	sadd.s32 s8, s2  }
0xa: {  	s29 =	sadd.s32 s8, s9;
	s9 =	sadd.s32 s30, s6;
	s11 =	ssub.s32 s5, s11  }
0xb: {  	s10 =	sadd.s32 s7, s6;
	s7 =	sshrl.u32 s29, $0x3;
	s5 =	sadd.s32 $0x16000, s9  }
0xc: {  	s12 =	sadd.s32 s7, s6;
	s6 =	sor.u32 $0x1C02, s31;
	s7 =	sadd.s32 $0xC200, s10  }
0xd: {  	s8 =	sadd.s32 $0x2400, s10;
	s10 =	smax.u32 s11, $0x1;
	s11 =	sshrl.u32 s13, $0x3  }
0xe: {  	s13 =	simm.s32 $0x2710;
	s9 =	sadd.s32 $0x20000, s12;
	s12 =	simm.s32 $0x2  }
.LBB2_1:
0xf: {  	[spmem:s11], [sflag:s6] =	dma.local [hbm:s5], $0x4E2  }
0x10: {  	_ =	swait.ge [sflag:s12], $0x4E2  }
0x11: {  	[sflag:s12] =	ssyncset.done $0x0  }
0x12: {  	[sflag:s12] =	ssyncadd.s32 $0xFFFFFB1E  }
0x13: {  	[tilespmem:s3], [sflag:$0x2] =	stream.linear.gather [hbm4b:s7+s3], $0x2710, $0x38;
	[tilespmem:$0x7A30] =	vst v63  }
0x14: {  	_ =	swait.ge [sflag:s12], $0x2710  }
0x15: {  	[sflag:s12] =	ssyncset.done $0x0  }
0x16: {  	[sflag:s12] =	ssyncadd.s32 $0xFFFFD8F0  }
0x17: {  	[tilespmem:s13], [sflag:$0x2] =	stream.linear.gather [hbm4b:s8+s3], $0x2710, $0x38;
	[tilespmem:$0x7A30] =	vst v63  }
0x18: {  	_ =	swait.ge [sflag:s12], $0x2710  }
0x19: {  	[sflag:s12] =	ssyncset.done $0x0  }
0x1a: {  	[sflag:s12] =	ssyncadd.s32 $0xFFFFD8F0  }
0x1b: {  	s18 =	simm.s32 $0x0;
	[bflag:$0x0] =	sbarrier.arrive $0xFFFF  }
0x1c: {  	[tilespmem:s15], [sflag:$0x1] =	stream.indirect.gather [hbm4b:s4+s14], $0x10, s18, s14, $0xb8;
	[tilespmem:$0x7A30] =	vst v63  }
0x1d: {  	_ =	swait.ge [sflag:s16], $0x500  }
0x1e: {  	[sflag:s16] =	ssyncset.done $0x0  }
0x1f: {  	s31 =	simm.s32 $0x2710;
	[sflag:s16] =	ssyncadd.s32 $0xFFFFFB00  }
0x20: {  	[spmem:s2] =	stream.indirect.scatter.add.f32 [tilespmem:s15], [sflag:$0x2], $0x10, s31, s14, $0xb8;
	[tilespmem:$0x7A30] =	vst v63  }
0x21: {  	_ =	swait.ge [sflag:s12], $0x500  }
0x22: {  	s19 =	simm.s32 $0x280;
	s18 =	simm.s32 $0x140;
	[sflag:s12] =	ssyncset.done $0x0  }
.LBB2_2:
0x23: {  	s20 =	sshra.s32 s18, $0x2  }
0x24: {  	[sflag:s12] =	ssyncadd.s32 $0xFFFFFB00;
	s18 =	smov.u32 s19;
	s21 =	sadd.s32 $0x140, s19  }
0x25: {  	[tilespmem:s15], [sflag:$0x1] =	stream.indirect.gather [hbm4b:s4+s14], $0x10, s20, s14, $0xb8;
	[tilespmem:$0x7A30] =	vst v63  }
0x26: {  	p0 =	sne.s32 s19, $0x9B00;
	_ =	swait.ge [sflag:s16], $0x500  }
.Ltmp0:
0x27: {  	[sflag:s16] =	ssyncset.done $0x0;
	(pc) =	sbr.rel @p0 .LBB2_2-.Ltmp0, $4  }
0x28: {  	s19 =	sadd.s32 $0x2710, s20;
	[sflag:s16] =	ssyncadd.s32 $0xFFFFFB00  }
0x29: {  	[spmem:s2] =	stream.indirect.scatter.add.f32 [tilespmem:s15], [sflag:$0x2], $0x10, s19, s14, $0xb8;
	[tilespmem:$0x7A30] =	vst v63  }
0x2a: {  	_ =	swait.ge [sflag:s12], $0x500  }
0x2b: {  	s19 =	smov.u32 s21;
	[sflag:s12] =	ssyncset.done $0x0  }
0x2c: {  	s18 =	sshra.s32 s18, $0x2;
	[sflag:s12] =	ssyncadd.s32 $0xFFFFFB00  }
0x2d: {  	[tilespmem:s15], [sflag:$0x1] =	stream.indirect.gather [hbm4b:s4+s14], $0x10, s18, s14, $0xb8;
	[tilespmem:$0x7A30] =	vst v63  }
0x2e: {  	_ =	swait.ge [sflag:s16], $0x500  }
0x2f: {  	[sflag:s16] =	ssyncset.done $0x0  }
0x30: {  	s18 =	sadd.s32 $0x2710, s18;
	[sflag:s16] =	ssyncadd.s32 $0xFFFFFB00  }
0x31: {  	[spmem:s2] =	stream.indirect.scatter.add.f32 [tilespmem:s15], [sflag:$0x2], $0x10, s18, s14, $0xb8;
	[tilespmem:$0x7A30] =	vst v63  }
0x32: {  	_ =	swait.ge [sflag:s12], $0x500  }
0x33: {  	s17 =	sadd.s32 $0x1, s17;
	[sflag:s12] =	ssyncset.done $0x0  }
0x34: {  	p0 =	sne.s32 s17, s10;
	[sflag:s12] =	ssyncadd.s32 $0xFFFFFB00  }
.Ltmp1:
0x35: {  	[bflag:$0x0] =	sbarrier.arrive $0xFFFF;
	(pc) =	sbr.rel @p0 .LBB2_1-.Ltmp1, $4  }
0x36: {  	[hbm:s9], [sflag:s6] =	dma.local [spmem:s11], $0x4E2  }
0x37: {  	_ =	swait.ge [sflag:s12], $0x4E2  }
0x38: {  	[sflag:s12] =	ssyncset.done $0x0  }
0x39: {  	[sflag:s12] =	ssyncadd.s32 $0xFFFFFB1E  }
0x3a: {  	_ =	sfence.sel $0x180000  }
0x3b: {  	[bflag:$0x0] =	sbarrier.arrive $0xFFFF  }
0x3c: {  	p0 =	sne.s32 s0, $0x0;
	_ =	strace $0x90000050  }
0x3d: {  	s0 =	sadd.s32 @!p0 $0x100000, s1;
	[bflag:$0x2] =	sbarrier.arrive $0xFFFF  }
0x3e: {  	[sflag:s0] =	ssyncadd.tile.s32 @!p0 $0x1;
	_ =	shalt  }
.Lfunc_end2:
_tile_overlayer_lowered:
.L_overlay_start_2:
0x3f: {  	(tag) =	ssettag $0x2  }
0x40: {  	s0 =	rddreg [dreg:$0x0];
	s2 =	stileid.u32  }
0x41: {  	s1 =	rddreg [dreg:$0x1];
	p0 =	sne.s32 s2, $0x0  }
0x42: {  	s3 =	rddreg [dreg:$0x2];
	[bflag:$0x3] =	sbarrier.arrive $0xFFFF;
	s2 =	simm.s32 @!p0 $0x1C02  }
0x43: {  	[timem:s3], [sflag:s2] =	dma.local @!p0 [hbm:s0], s1  }
0x44: {  	s0 =	simm.s32 @!p0 $0x2  }
0x45: {  	_ =	swait.ge @!p0 [sflag:s0], s1  }
0x46: {  	s1 =	ssub.s32 @!p0 $0x0, s1;
	[sflag:s0] =	ssyncset.done @!p0 $0x0  }
0x47: {  	[sflag:s0] =	ssyncadd.s32 @!p0 s1  }
0x48: {  	[bflag:$0x3] =	sbarrier.arrive $0xFFFF  }
0x49: {  	_ =	shalt  }

</sc_bundles>
